<compile_context>
chip_gen: v7x
topology: tpu7x:2x2x1
jax: 0.10.2.dev20260603
libtpu: 0.0.44.dev20260713+nightly
codegen_flags: <defaults>
</compile_context>

<pallas_src>
import functools

import jax
import jax.numpy as jnp
from jax import lax
from jax.experimental import pallas as pl
from jax.experimental.pallas import tpu as pltpu
from jax.experimental.pallas import tpu_sc as plsc

NN = 10000
NPAD = 10240
D = 256
DH = 128
E = 160000
EPAD = 163840
EROWS = EPAD // 128
DEGW = 16

ROWS_DEG = EROWS // 32
ROWS_AGG = EROWS // 16
SLAB = NPAD // 16

_MESH = plsc.VectorSubcoreMesh(core_axis_name="c", subcore_axis_name="s")


@functools.partial(
    pl.kernel,
    out_type=jax.ShapeDtypeStruct((2 * NPAD, 128), jnp.float32),
    mesh=_MESH,
    scratch_types=[
        pltpu.VMEM((ROWS_AGG, 128), jnp.int32),
        pltpu.VMEM((128, 128), jnp.float32),
        pltpu.VMEM_SHARED((NPAD, 128), jnp.float32),
    ],
)
def _deg(idx2_hbm, out_hbm, idx_v, ones_v, deg_sh):
    c = lax.axis_index("c")
    s = lax.axis_index("s")

    @pl.loop(0, 128)
    def _(i):
        @pl.loop(0, 128, step=16)
        def _(k):
            ones_v.at[i, pl.ds(k, 16)][...] = jnp.zeros((16,), jnp.float32)

    @pl.loop(0, SLAB // 128)
    def _(k):
        pltpu.sync_copy(ones_v, deg_sh.at[pl.ds(s * SLAB + k * 128, 128)])

    @pl.loop(0, 128)
    def _(i):
        @pl.loop(0, 128, step=16)
        def _(k):
            ones_v.at[i, pl.ds(k, 16)][...] = jnp.ones((16,), jnp.float32)

    pltpu.sync_copy(idx2_hbm.at[pl.ds(c * EROWS + s * ROWS_AGG, ROWS_AGG)],
                    idx_v)
    plsc.subcore_barrier()

    @pl.loop(0, ROWS_AGG)
    def _(j):
        pltpu.sync_copy(ones_v, deg_sh.at[idx_v.at[j]], add=True)

    plsc.subcore_barrier()
    pltpu.sync_copy(deg_sh.at[pl.ds(s * SLAB, SLAB)],
                    out_hbm.at[pl.ds(c * NPAD + s * SLAB, SLAB)])


_NBUF = 2
_G = 40
_NG = ROWS_AGG // _G


@functools.partial(
    pl.kernel,
    out_type=jax.ShapeDtypeStruct((2 * NPAD, DH), jnp.float32),
    mesh=_MESH,
    scratch_types=(
        [pltpu.VMEM((_G, 128), jnp.int32),
         pltpu.VMEM((_G, 128), jnp.int32),
         pltpu.VMEM_SHARED((NPAD, DH), jnp.float32)]
        + [pltpu.VMEM((128, DH), jnp.float32)] * _NBUF
        + [pltpu.SemaphoreType.DMA] * (2 * _NBUF)
    ),
)
def _agg(init_hbm, h_hbm, snd2_hbm, rcv_hbm, out_hbm,
         snd_g, rcv_g, acc_sh, *bufs_sems):
    bufs = bufs_sems[:_NBUF]
    gsems = bufs_sems[_NBUF:2 * _NBUF]
    ssems = bufs_sems[2 * _NBUF:]
    c = lax.axis_index("c")
    s = lax.axis_index("s")

    pltpu.sync_copy(init_hbm.at[pl.ds(c * NPAD + s * SLAB, SLAB)],
                    acc_sh.at[pl.ds(s * SLAB, SLAB)])
    plsc.subcore_barrier()

    base2 = c * EROWS + s * ROWS_AGG
    base1 = s * ROWS_AGG

    @pl.loop(0, _NG)
    def _(g):
        pltpu.sync_copy(snd2_hbm.at[pl.ds(base2 + g * _G, _G)], snd_g)
        pltpu.sync_copy(rcv_hbm.at[pl.ds(base1 + g * _G, _G)], rcv_g)

        for b in range(_NBUF):
            pltpu.async_copy(h_hbm.at[snd_g.at[b]], bufs[b], gsems[b])

        @pl.loop(0, _G, step=_NBUF)
        def _(k):
            for b in range(_NBUF):
                kk = k + b
                pltpu.make_async_copy(h_hbm.at[snd_g.at[kk]], bufs[b],
                                      gsems[b]).wait()
                pltpu.async_copy(bufs[b], acc_sh.at[rcv_g.at[kk]], ssems[b],
                                 add=True)

                @pl.when(kk + _NBUF < _G)
                def _():
                    pltpu.make_async_copy(bufs[b], acc_sh.at[rcv_g.at[kk]],
                                          ssems[b]).wait()
                    pltpu.async_copy(h_hbm.at[snd_g.at[kk + _NBUF]], bufs[b],
                                     gsems[b])

        for b in range(_NBUF):
            pltpu.make_async_copy(bufs[b], acc_sh.at[rcv_g.at[_G - _NBUF + b]],
                                  ssems[b]).wait()

    plsc.subcore_barrier()
    pltpu.sync_copy(acc_sh.at[pl.ds(s * SLAB, SLAB)],
                    out_hbm.at[pl.ds(c * NPAD + s * SLAB, SLAB)])


_BR = 512


def _mm1(x_pad, W1, b1, degs):
    def body(x_ref, w_ref, b_ref, d_ref, o_ref):
        scale = lax.rsqrt(d_ref[0, :] + 1.0)
        h = jnp.dot(x_ref[...], w_ref[...], preferred_element_type=jnp.float32)
        h = (h + b_ref[...]) * scale[:, None]
        o_ref[0] = h[:, :DH]
        o_ref[1] = h[:, DH:]

    return pl.pallas_call(
        body,
        grid=(NPAD // _BR,),
        in_specs=[
            pl.BlockSpec((_BR, D), lambda i: (i, 0)),
            pl.BlockSpec((D, D), lambda i: (0, 0)),
            pl.BlockSpec((1, D), lambda i: (0, 0)),
            pl.BlockSpec((2, _BR), lambda i: (0, i)),
        ],
        out_specs=pl.BlockSpec((2, _BR, DH), lambda i: (0, i, 0)),
        out_shape=jax.ShapeDtypeStruct((2, NPAD, DH), jnp.float32),
    )(x_pad, W1, b1, degs)


def _mid(acc1, degs, W2, b2):
    def body(a_ref, d_ref, w_ref, b_ref, o_ref):
        dr1 = d_ref[1, :] + 1.0
        ds2 = jnp.maximum(d_ref[0, :], 1.0)
        pre = jnp.concatenate([a_ref[0], a_ref[1]], axis=1)
        pre = pre * lax.rsqrt(dr1)[:, None]
        u = jnp.dot(pre, w_ref[...], preferred_element_type=jnp.float32)
        u = (u + b_ref[...]) * lax.rsqrt(ds2)[:, None]
        o_ref[0] = u[:, :DH]
        o_ref[1] = u[:, DH:]

    return pl.pallas_call(
        body,
        grid=(NPAD // _BR,),
        in_specs=[
            pl.BlockSpec((2, _BR, DH), lambda i: (0, i, 0)),
            pl.BlockSpec((2, _BR), lambda i: (0, i)),
            pl.BlockSpec((D, D), lambda i: (0, 0)),
            pl.BlockSpec((1, D), lambda i: (0, 0)),
        ],
        out_specs=pl.BlockSpec((2, _BR, DH), lambda i: (0, i, 0)),
        out_shape=jax.ShapeDtypeStruct((2, NPAD, DH), jnp.float32),
    )(acc1, degs, W2, b2)


def _fin(acc2, degs):
    def body(a_ref, d_ref, o_ref):
        dr2 = jnp.maximum(d_ref[1, :], 1.0)
        o_ref[...] = (jnp.concatenate([a_ref[0], a_ref[1]], axis=1)
                      * lax.rsqrt(dr2)[:, None])

    return pl.pallas_call(
        body,
        grid=(NPAD // _BR,),
        in_specs=[
            pl.BlockSpec((2, _BR, DH), lambda i: (0, i, 0)),
            pl.BlockSpec((2, _BR), lambda i: (0, i)),
        ],
        out_specs=pl.BlockSpec((_BR, D), lambda i: (i, 0)),
        out_shape=jax.ShapeDtypeStruct((NPAD, D), jnp.float32),
    )(acc2, degs)


def kernel(x, edge_index, W1, b1, W2, b2):
    snd = edge_index[0].astype(jnp.int32)
    rcv = edge_index[1].astype(jnp.int32)
    pad = jnp.full((EPAD - E,), NN, jnp.int32)
    snd = jnp.concatenate([snd, pad]).reshape(EROWS, 128)
    rcv = jnp.concatenate([rcv, pad]).reshape(EROWS, 128)
    snd2 = jnp.concatenate([snd, snd + NPAD], axis=0)
    x_pad = jnp.pad(x, ((0, NPAD - NN), (0, 0)))
    b1r = b1.reshape(1, D)
    b2r = b2.reshape(1, D)

    idx2 = jnp.concatenate([snd, rcv], axis=0)
    degw = _deg(idx2)
    degs = degw.reshape(2, NPAD, 128)[..., 0]

    h1 = _mm1(x_pad, W1, b1r, degs)
    h1f = h1.reshape(2 * NPAD, DH)
    acc1 = _agg(h1f, h1f, snd2, rcv)
    h2 = _mid(acc1.reshape(2, NPAD, DH), degs, W2, b2r)
    zeros = jnp.zeros((2 * NPAD, DH), jnp.float32)
    acc2 = _agg(zeros, h2.reshape(2 * NPAD, DH), snd2, rcv)
    out = _fin(acc2.reshape(2, NPAD, DH), degs)
    return out[:NN]

# --- scband reference (transcript-rebuilt; emitter-appended) ---
"""Pipeline reference for scband-gcn-31774168055920 (READ-ONLY COPY).

The authoritative reference and input builder live on the scoring server;
editing this copy changes nothing except your own understanding.
"""

import jax, jax.numpy as jnp
import numpy as np

N_NODES = 10000
D_FEAT = 256
GCN1_DIM = 256
OUT_DIM = 256
N_EDGES = 160000


def setup_inputs(seed: int = 0) -> dict:
    key = jax.random.key(seed)
    k_x, k_e, k_w1, k_w2 = jax.random.split(key, 4)
    x = jax.random.normal(k_x, (N_NODES, D_FEAT), dtype=jnp.float32)
    edge_index = jax.random.randint(k_e, (2, N_EDGES), 0, N_NODES, dtype=jnp.int64)
    W1 = jax.random.normal(k_w1, (D_FEAT, GCN1_DIM), dtype=jnp.float32) * (1.0 / np.sqrt(D_FEAT))
    b1 = jnp.zeros((GCN1_DIM,), dtype=jnp.float32)
    W2 = jax.random.normal(k_w2, (GCN1_DIM, OUT_DIM), dtype=jnp.float32) * (1.0 / np.sqrt(GCN1_DIM))
    b2 = jnp.zeros((OUT_DIM,), dtype=jnp.float32)
    return {"x": x, "edge_index": edge_index, "W1": W1, "b1": b1, "W2": W2, "b2": b2}


def _gcn_conv(nodes, senders, receivers, num_nodes, add_self_edges):
    # Faithful to jraph.GraphConvolution with symmetric_normalization=True.
    if add_self_edges:
        ar = jnp.arange(num_nodes, dtype=senders.dtype)
        conv_senders = jnp.concatenate((senders, ar), axis=0)
        conv_receivers = jnp.concatenate((receivers, ar), axis=0)
    else:
        conv_senders = senders
        conv_receivers = receivers
    ones = jnp.ones(conv_senders.shape, dtype=jnp.float32)
    sender_degree = jax.ops.segment_sum(ones, conv_senders, num_segments=num_nodes)
    receiver_degree = jax.ops.segment_sum(ones, conv_receivers, num_segments=num_nodes)
    nodes = nodes * jax.lax.rsqrt(jnp.maximum(sender_degree, 1.0))[:, None]
    nodes = jax.ops.segment_sum(nodes[conv_senders], conv_receivers, num_segments=num_nodes)
    nodes = nodes * jax.lax.rsqrt(jnp.maximum(receiver_degree, 1.0))[:, None]
    return nodes


def reference(x, edge_index, W1, b1, W2, b2):
    num_nodes = x.shape[0]
    senders = edge_index[0]
    receivers = edge_index[1]
    # Layer 1: update_node_fn = Linear, add_self_edges=True
    h = x @ W1 + b1
    h = _gcn_conv(h, senders, receivers, num_nodes, add_self_edges=True)
    # Layer 2: update_node_fn = Linear, add_self_edges=False
    h = h @ W2 + b2
    h = _gcn_conv(h, senders, receivers, num_nodes, add_self_edges=False)
    return h

if __name__ == "__main__":
    import jax
    _d = setup_inputs()
    print(jax.jit(kernel)(*tuple(_d.values())))

</pallas_src>

<mosaic_0001>
#map = affine_map<(d0, d1) -> (0, 0)>
module attributes {stable_mosaic.version = 14 : i64} {
  func.func @_deg(%arg0: i32, %arg1: i32, %arg2: memref<2560x128xi32, #tpu.memory_space<hbm>>, %arg3: memref<20480x128xf32, #tpu.memory_space<hbm>>, %arg4: memref<80x128xi32, #tpu.memory_space<vmem>>, %arg5: memref<128x128xf32, #tpu.memory_space<vmem>>, %arg6: memref<10240x128xf32, #tpu.memory_space<vmem_shared>>) attributes {dimension_semantics = [#tpu.dimension_semantics<core_parallel>, #tpu.dimension_semantics<subcore_parallel>], iteration_bounds = array<i64: 2, 16>, scalar_prefetch = 0 : i64, scratch_operands = 3 : i64, tpu.core_type = #tpu.core_type<sc_vector_subcore>, window_params = [{transform_indices = #map}, {transform_indices = #map}]} {
    %scan3A = arith.constant 0 : i32
    %scan3A_0 = arith.constant 128 : i32
    %scan3A_1 = arith.addi %scan3A, %scan3A_0 : i32
    %scan3A_2 = arith.constant 1 : i32
    scf.for %scan3A_30 = %scan3A to %scan3A_1 step %scan3A_2  : i32 {
      %mul3A_31 = arith.constant 1 : i32
      %mul3A_32 = arith.muli %scan3A_30, %mul3A_31 : i32
      %add3A_33 = arith.constant 0 : i32
      %add3A_34 = arith.addi %add3A_33, %mul3A_32 : i32
      %scan3A_35 = arith.constant 0 : i32
      %scan3A_36 = arith.constant 8 : i32
      %scan3A_37 = arith.addi %scan3A_35, %scan3A_36 : i32
      %scan3A_38 = arith.constant 1 : i32
      scf.for %scan3A_40 = %scan3A_35 to %scan3A_37 step %scan3A_38  : i32 {
        %mul3A_41 = arith.constant 16 : i32
        %mul3A_42 = arith.muli %scan3A_40, %mul3A_41 : i32
        %add3A_43 = arith.constant 0 : i32
        %add3A_44 = arith.addi %add3A_43, %mul3A_42 : i32
        %broadcast_in_dim3A = arith.constant 0.000000e+00 : f32
        %broadcast_in_dim3A_45 = vector.broadcast %broadcast_in_dim3A : f32 to vector<16xf32>
        %swap3A = arith.index_cast %add3A_34 : i32 to index
        %swap3A_46 = arith.index_cast %add3A_44 : i32 to index
        %swap3A_47 = tpu.vector_load %arg5[%swap3A, %swap3A_46] {strides = array<i32>} : memref<128x128xf32, #tpu.memory_space<vmem>>, vector<1x16xf32>,
        %swap3A_48 = vector.shape_cast %swap3A_47 : vector<1x16xf32> to vector<16xf32>
        %swap3A_49 = vector.shape_cast %broadcast_in_dim3A_45 : vector<16xf32> to vector<1x16xf32>
        tpu.vector_store %arg5[%swap3A, %swap3A_46], %swap3A_49 {strides = array<i32>} : memref<128x128xf32, #tpu.memory_space<vmem>>, vector<1x16xf32>,
      }
      %scan3A_39 = arith.constant 8 : i32
    }
    %scan3A_3 = arith.constant 128 : i32
    %scan3A_4 = arith.constant 0 : i32
    %scan3A_5 = arith.constant 5 : i32
    %scan3A_6 = arith.addi %scan3A_4, %scan3A_5 : i32
    %scan3A_7 = arith.constant 1 : i32
    scf.for %scan3A_30 = %scan3A_4 to %scan3A_6 step %scan3A_7  : i32 {
      %mul3A_31 = arith.constant 1 : i32
      %mul3A_32 = arith.muli %scan3A_30, %mul3A_31 : i32
      %add3A_33 = arith.constant 0 : i32
      %add3A_34 = arith.addi %add3A_33, %mul3A_32 : i32
      %mul3A_35 = arith.constant 640 : i32
      %mul3A_36 = arith.muli %arg1, %mul3A_35 : i32
      %mul3A_37 = arith.constant 128 : i32
      %mul3A_38 = arith.muli %add3A_34, %mul3A_37 : i32
      %add3A_39 = arith.addi %mul3A_36, %mul3A_38 : i32
      "tpu.region"() ({
        %run_scoped3A = tpu.sem_alloc : memref<!tpu.dma_semaphore, #tpu.memory_space<semaphore_mem>>
        %dma_start3A = arith.constant 0 : i32
        %dma_start3A_40 = tpu.memref_slice %arg6[%add3A_39, %dma_start3A] : memref<10240x128xf32, #tpu.memory_space<vmem_shared>> -> memref<128x128xf32, #tpu.memory_space<vmem_shared>>
        %dma_start3A_41 = arith.constant 0 : i32
        %dma_start3A_42 = tpu.memref_slice %arg6[%add3A_39, %dma_start3A_41] : memref<10240x128xf32, #tpu.memory_space<vmem_shared>> -> memref<128x128xf32, #tpu.memory_space<vmem_shared>>
        tpu.enqueue_dma source(%arg5 : memref<128x128xf32, #tpu.memory_space<vmem>>) target(%dma_start3A_42 : memref<128x128xf32, #tpu.memory_space<vmem_shared>>) target_semaphore(%run_scoped3A : memref<!tpu.dma_semaphore, #tpu.memory_space<semaphore_mem>>)
        %dma_wait3A = arith.constant 0 : i32
        %dma_wait3A_43 = tpu.memref_slice %arg6[%add3A_39, %dma_wait3A] : memref<10240x128xf32, #tpu.memory_space<vmem_shared>> -> memref<128x128xf32, #tpu.memory_space<vmem_shared>>
        %dma_wait3A_44 = arith.constant 0 : i32
        %dma_wait3A_45 = tpu.memref_slice %arg6[%add3A_39, %dma_wait3A_44] : memref<10240x128xf32, #tpu.memory_space<vmem_shared>> -> memref<128x128xf32, #tpu.memory_space<vmem_shared>>
        tpu.wait_dma2 semaphore(%run_scoped3A : memref<!tpu.dma_semaphore, #tpu.memory_space<semaphore_mem>>) src(%arg5 : memref<128x128xf32, #tpu.memory_space<vmem>>) dst(%dma_wait3A_45 : memref<128x128xf32, #tpu.memory_space<vmem_shared>>)
        tpu.yield
      }) : () -> ()
    }
    %scan3A_8 = arith.constant 5 : i32
    %scan3A_9 = arith.constant 0 : i32
    %scan3A_10 = arith.constant 128 : i32
    %scan3A_11 = arith.addi %scan3A_9, %scan3A_10 : i32
    %scan3A_12 = arith.constant 1 : i32
    scf.for %scan3A_30 = %scan3A_9 to %scan3A_11 step %scan3A_12  : i32 {
      %mul3A_31 = arith.constant 1 : i32
      %mul3A_32 = arith.muli %scan3A_30, %mul3A_31 : i32
      %add3A_33 = arith.constant 0 : i32
      %add3A_34 = arith.addi %add3A_33, %mul3A_32 : i32
      %scan3A_35 = arith.constant 0 : i32
      %scan3A_36 = arith.constant 8 : i32
      %scan3A_37 = arith.addi %scan3A_35, %scan3A_36 : i32
      %scan3A_38 = arith.constant 1 : i32
      scf.for %scan3A_40 = %scan3A_35 to %scan3A_37 step %scan3A_38  : i32 {
        %mul3A_41 = arith.constant 16 : i32
        %mul3A_42 = arith.muli %scan3A_40, %mul3A_41 : i32
        %add3A_43 = arith.constant 0 : i32
        %add3A_44 = arith.addi %add3A_43, %mul3A_42 : i32
        %broadcast_in_dim3A = arith.constant 1.000000e+00 : f32
        %broadcast_in_dim3A_45 = vector.broadcast %broadcast_in_dim3A : f32 to vector<16xf32>
        %swap3A = arith.index_cast %add3A_34 : i32 to index
        %swap3A_46 = arith.index_cast %add3A_44 : i32 to index
        %swap3A_47 = tpu.vector_load %arg5[%swap3A, %swap3A_46] {strides = array<i32>} : memref<128x128xf32, #tpu.memory_space<vmem>>, vector<1x16xf32>,
        %swap3A_48 = vector.shape_cast %swap3A_47 : vector<1x16xf32> to vector<16xf32>
        %swap3A_49 = vector.shape_cast %broadcast_in_dim3A_45 : vector<16xf32> to vector<1x16xf32>
        tpu.vector_store %arg5[%swap3A, %swap3A_46], %swap3A_49 {strides = array<i32>} : memref<128x128xf32, #tpu.memory_space<vmem>>, vector<1x16xf32>,
      }
      %scan3A_39 = arith.constant 8 : i32
    }
    %scan3A_13 = arith.constant 128 : i32
    %mul3A = arith.constant 1280 : i32
    %mul3A_14 = arith.muli %arg0, %mul3A : i32
    %mul3A_15 = arith.constant 80 : i32
    %mul3A_16 = arith.muli %arg1, %mul3A_15 : i32
    %add3A = arith.addi %mul3A_14, %mul3A_16 : i32
    "tpu.region"() ({
      %run_scoped3A = tpu.sem_alloc : memref<!tpu.dma_semaphore, #tpu.memory_space<semaphore_mem>>
      %dma_start3A = arith.constant 0 : i32
      %dma_start3A_30 = tpu.memref_slice %arg2[%add3A, %dma_start3A] : memref<2560x128xi32, #tpu.memory_space<hbm>> -> memref<80x128xi32, #tpu.memory_space<hbm>>
      %dma_start3A_31 = arith.constant 0 : i32
      %dma_start3A_32 = tpu.memref_slice %arg2[%add3A, %dma_start3A_31] : memref<2560x128xi32, #tpu.memory_space<hbm>> -> memref<80x128xi32, #tpu.memory_space<hbm>>
      tpu.enqueue_dma source(%dma_start3A_32 : memref<80x128xi32, #tpu.memory_space<hbm>>) target(%arg4 : memref<80x128xi32, #tpu.memory_space<vmem>>) target_semaphore(%run_scoped3A : memref<!tpu.dma_semaphore, #tpu.memory_space<semaphore_mem>>)
      %dma_wait3A = arith.constant 0 : i32
      %dma_wait3A_33 = tpu.memref_slice %arg2[%add3A, %dma_wait3A] : memref<2560x128xi32, #tpu.memory_space<hbm>> -> memref<80x128xi32, #tpu.memory_space<hbm>>
      %dma_wait3A_34 = arith.constant 0 : i32
      %dma_wait3A_35 = tpu.memref_slice %arg2[%add3A, %dma_wait3A_34] : memref<2560x128xi32, #tpu.memory_space<hbm>> -> memref<80x128xi32, #tpu.memory_space<hbm>>
      tpu.wait_dma2 semaphore(%run_scoped3A : memref<!tpu.dma_semaphore, #tpu.memory_space<semaphore_mem>>) src(%dma_wait3A_35 : memref<80x128xi32, #tpu.memory_space<hbm>>) dst(%arg4 : memref<80x128xi32, #tpu.memory_space<vmem>>)
      tpu.yield
    }) : () -> ()
    %barrier3A = arith.constant 0 : index
    tpu.barrier barrier_id(%barrier3A)
    %scan3A_17 = arith.constant 0 : i32
    %scan3A_18 = arith.constant 80 : i32
    %scan3A_19 = arith.addi %scan3A_17, %scan3A_18 : i32
    %scan3A_20 = arith.constant 1 : i32
    scf.for %scan3A_30 = %scan3A_17 to %scan3A_19 step %scan3A_20  : i32 {
      %mul3A_31 = arith.constant 1 : i32
      %mul3A_32 = arith.muli %scan3A_30, %mul3A_31 : i32
      %add3A_33 = arith.constant 0 : i32
      %add3A_34 = arith.addi %add3A_33, %mul3A_32 : i32
      "tpu.region"() ({
        %run_scoped3A = tpu.sem_alloc : memref<!tpu.dma_semaphore, #tpu.memory_space<semaphore_mem>>
        %dma_start3A = arith.constant 0 : i32
        %dma_start3A_35 = tpu.memref_slice %arg4[%add3A_34, %dma_start3A] : memref<80x128xi32, #tpu.memory_space<vmem>> -> memref<1x128xi32, #tpu.memory_space<vmem>>
        %dma_start3A_36 = tpu.memref_squeeze %dma_start3A_35 : memref<1x128xi32, #tpu.memory_space<vmem>> -> memref<128xi32, #tpu.memory_space<vmem>>
        %dma_start3A_37 = arith.constant 0 : i32
        %dma_start3A_38 = arith.constant 0 : i32
        %dma_start3A_39 = tpu.memref_slice %arg6[%dma_start3A_37, %dma_start3A_38] : memref<10240x128xf32, #tpu.memory_space<vmem_shared>> -> memref<10240x128xf32, #tpu.memory_space<vmem_shared>>
        tpu.enqueue_indirect_dma source(%arg5 : memref<128x128xf32, #tpu.memory_space<vmem>>) target(%dma_start3A_39 : memref<10240x128xf32, #tpu.memory_space<vmem_shared>>) offsets(%dma_start3A_36 : memref<128xi32, #tpu.memory_space<vmem>>) semaphore(%run_scoped3A : memref<!tpu.dma_semaphore, #tpu.memory_space<semaphore_mem>>) {add = true}
        %dma_wait3A = arith.constant 0 : i32
        %dma_wait3A_40 = tpu.memref_slice %arg4[%add3A_34, %dma_wait3A] : memref<80x128xi32, #tpu.memory_space<vmem>> -> memref<1x128xi32, #tpu.memory_space<vmem>>
        %dma_wait3A_41 = tpu.memref_squeeze %dma_wait3A_40 : memref<1x128xi32, #tpu.memory_space<vmem>> -> memref<128xi32, #tpu.memory_space<vmem>>
        %dma_wait3A_42 = arith.constant 0 : i32
        %dma_wait3A_43 = arith.constant 0 : i32
        %dma_wait3A_44 = tpu.memref_slice %arg6[%dma_wait3A_42, %dma_wait3A_43] : memref<10240x128xf32, #tpu.memory_space<vmem_shared>> -> memref<10240x128xf32, #tpu.memory_space<vmem_shared>>
        tpu.wait_indirect_dma semaphore(%run_scoped3A : memref<!tpu.dma_semaphore, #tpu.memory_space<semaphore_mem>>) src(%arg5 : memref<128x128xf32, #tpu.memory_space<vmem>>) dst(%dma_wait3A_44 : memref<10240x128xf32, #tpu.memory_space<vmem_shared>>)
        tpu.yield
      }) : () -> ()
    }
    %scan3A_21 = arith.constant 80 : i32
    %barrier3A_22 = arith.constant 0 : index
    tpu.barrier barrier_id(%barrier3A_22)
    %mul3A_23 = arith.constant 640 : i32
    %mul3A_24 = arith.muli %arg1, %mul3A_23 : i32
    %mul3A_25 = arith.constant 10240 : i32
    %mul3A_26 = arith.muli %arg0, %mul3A_25 : i32
    %mul3A_27 = arith.constant 640 : i32
    %mul3A_28 = arith.muli %arg1, %mul3A_27 : i32
    %add3A_29 = arith.addi %mul3A_26, %mul3A_28 : i32
    "tpu.region"() ({
      %run_scoped3A = tpu.sem_alloc : memref<!tpu.dma_semaphore, #tpu.memory_space<semaphore_mem>>
      %dma_start3A = arith.constant 0 : i32
      %dma_start3A_30 = tpu.memref_slice %arg3[%add3A_29, %dma_start3A] : memref<20480x128xf32, #tpu.memory_space<hbm>> -> memref<640x128xf32, #tpu.memory_space<hbm>>
      %dma_start3A_31 = arith.constant 0 : i32
      %dma_start3A_32 = tpu.memref_slice %arg6[%mul3A_24, %dma_start3A_31] : memref<10240x128xf32, #tpu.memory_space<vmem_shared>> -> memref<640x128xf32, #tpu.memory_space<vmem_shared>>
      tpu.enqueue_dma source(%dma_start3A_32 : memref<640x128xf32, #tpu.memory_space<vmem_shared>>) target(%dma_start3A_30 : memref<640x128xf32, #tpu.memory_space<hbm>>) target_semaphore(%run_scoped3A : memref<!tpu.dma_semaphore, #tpu.memory_space<semaphore_mem>>)
      %dma_wait3A = arith.constant 0 : i32
      %dma_wait3A_33 = tpu.memref_slice %arg3[%add3A_29, %dma_wait3A] : memref<20480x128xf32, #tpu.memory_space<hbm>> -> memref<640x128xf32, #tpu.memory_space<hbm>>
      %dma_wait3A_34 = arith.constant 0 : i32
      %dma_wait3A_35 = tpu.memref_slice %arg6[%mul3A_24, %dma_wait3A_34] : memref<10240x128xf32, #tpu.memory_space<vmem_shared>> -> memref<640x128xf32, #tpu.memory_space<vmem_shared>>
      tpu.wait_dma2 semaphore(%run_scoped3A : memref<!tpu.dma_semaphore, #tpu.memory_space<semaphore_mem>>) src(%dma_wait3A_35 : memref<640x128xf32, #tpu.memory_space<vmem_shared>>) dst(%dma_wait3A_33 : memref<640x128xf32, #tpu.memory_space<hbm>>)
      tpu.yield
    }) : () -> ()
    return
  }
}

#map = affine_map<(d0, d1) -> (0, 0)>
module attributes {stable_mosaic.version = 14 : i64} {
  func.func @_agg(%arg0: i32, %arg1: i32, %arg2: memref<20480x128xf32, #tpu.memory_space<hbm>>, %arg3: memref<20480x128xf32, #tpu.memory_space<hbm>>, %arg4: memref<2560x128xi32, #tpu.memory_space<hbm>>, %arg5: memref<1280x128xi32, #tpu.memory_space<hbm>>, %arg6: memref<20480x128xf32, #tpu.memory_space<hbm>>, %arg7: memref<40x128xi32, #tpu.memory_space<vmem>>, %arg8: memref<40x128xi32, #tpu.memory_space<vmem>>, %arg9: memref<10240x128xf32, #tpu.memory_space<vmem_shared>>, %arg10: memref<128x128xf32, #tpu.memory_space<vmem>>, %arg11: memref<128x128xf32, #tpu.memory_space<vmem>>, %arg12: memref<!tpu.dma_semaphore, #tpu.memory_space<semaphore_mem>>, %arg13: memref<!tpu.dma_semaphore, #tpu.memory_space<semaphore_mem>>, %arg14: memref<!tpu.dma_semaphore, #tpu.memory_space<semaphore_mem>>, %arg15: memref<!tpu.dma_semaphore, #tpu.memory_space<semaphore_mem>>) attributes {dimension_semantics = [#tpu.dimension_semantics<core_parallel>, #tpu.dimension_semantics<subcore_parallel>], iteration_bounds = array<i64: 2, 16>, scalar_prefetch = 0 : i64, scratch_operands = 9 : i64, tpu.core_type = #tpu.core_type<sc_vector_subcore>, window_params = [{transform_indices = #map}, {transform_indices = #map}, {transform_indices = #map}, {transform_indices = #map}, {transform_indices = #map}]} {
    %mul3A = arith.constant 10240 : i32
    %mul3A_0 = arith.muli %arg0, %mul3A : i32
    %mul3A_1 = arith.constant 640 : i32
    %mul3A_2 = arith.muli %arg1, %mul3A_1 : i32
    %add3A = arith.addi %mul3A_0, %mul3A_2 : i32
    %mul3A_3 = arith.constant 640 : i32
    %mul3A_4 = arith.muli %arg1, %mul3A_3 : i32
    "tpu.region"() ({
      %run_scoped3A = tpu.sem_alloc : memref<!tpu.dma_semaphore, #tpu.memory_space<semaphore_mem>>
      %dma_start3A = arith.constant 0 : i32
      %dma_start3A_24 = tpu.memref_slice %arg9[%mul3A_4, %dma_start3A] : memref<10240x128xf32, #tpu.memory_space<vmem_shared>> -> memref<640x128xf32, #tpu.memory_space<vmem_shared>>
      %dma_start3A_25 = arith.constant 0 : i32
      %dma_start3A_26 = tpu.memref_slice %arg2[%add3A, %dma_start3A_25] : memref<20480x128xf32, #tpu.memory_space<hbm>> -> memref<640x128xf32, #tpu.memory_space<hbm>>
      tpu.enqueue_dma source(%dma_start3A_26 : memref<640x128xf32, #tpu.memory_space<hbm>>) target(%dma_start3A_24 : memref<640x128xf32, #tpu.memory_space<vmem_shared>>) target_semaphore(%run_scoped3A : memref<!tpu.dma_semaphore, #tpu.memory_space<semaphore_mem>>)
      %dma_wait3A = arith.constant 0 : i32
      %dma_wait3A_27 = tpu.memref_slice %arg9[%mul3A_4, %dma_wait3A] : memref<10240x128xf32, #tpu.memory_space<vmem_shared>> -> memref<640x128xf32, #tpu.memory_space<vmem_shared>>
      %dma_wait3A_28 = arith.constant 0 : i32
      %dma_wait3A_29 = tpu.memref_slice %arg2[%add3A, %dma_wait3A_28] : memref<20480x128xf32, #tpu.memory_space<hbm>> -> memref<640x128xf32, #tpu.memory_space<hbm>>
      tpu.wait_dma2 semaphore(%run_scoped3A : memref<!tpu.dma_semaphore, #tpu.memory_space<semaphore_mem>>) src(%dma_wait3A_29 : memref<640x128xf32, #tpu.memory_space<hbm>>) dst(%dma_wait3A_27 : memref<640x128xf32, #tpu.memory_space<vmem_shared>>)
      tpu.yield
    }) : () -> ()
    %barrier3A = arith.constant 0 : index
    tpu.barrier barrier_id(%barrier3A)
    %mul3A_5 = arith.constant 1280 : i32
    %mul3A_6 = arith.muli %arg0, %mul3A_5 : i32
    %mul3A_7 = arith.constant 80 : i32
    %mul3A_8 = arith.muli %arg1, %mul3A_7 : i32
    %add3A_9 = arith.addi %mul3A_6, %mul3A_8 : i32
    %mul3A_10 = arith.constant 80 : i32
    %mul3A_11 = arith.muli %arg1, %mul3A_10 : i32
    %scan3A = arith.constant 0 : i32
    %scan3A_12 = arith.constant 2 : i32
    %scan3A_13 = arith.addi %scan3A, %scan3A_12 : i32
    %scan3A_14 = arith.constant 1 : i32
    scf.for %scan3A_24 = %scan3A to %scan3A_13 step %scan3A_14  : i32 {
      %mul3A_25 = arith.constant 1 : i32
      %mul3A_26 = arith.muli %scan3A_24, %mul3A_25 : i32
      %add3A_27 = arith.constant 0 : i32
      %add3A_28 = arith.addi %add3A_27, %mul3A_26 : i32
      %mul3A_29 = arith.constant 40 : i32
      %mul3A_30 = arith.muli %add3A_28, %mul3A_29 : i32
      %add3A_31 = arith.addi %add3A_9, %mul3A_30 : i32
      "tpu.region"() ({
        %run_scoped3A = tpu.sem_alloc : memref<!tpu.dma_semaphore, #tpu.memory_space<semaphore_mem>>
        %dma_start3A_66 = arith.constant 0 : i32
        %dma_start3A_67 = tpu.memref_slice %arg4[%add3A_31, %dma_start3A_66] : memref<2560x128xi32, #tpu.memory_space<hbm>> -> memref<40x128xi32, #tpu.memory_space<hbm>>
        %dma_start3A_68 = arith.constant 0 : i32
        %dma_start3A_69 = tpu.memref_slice %arg4[%add3A_31, %dma_start3A_68] : memref<2560x128xi32, #tpu.memory_space<hbm>> -> memref<40x128xi32, #tpu.memory_space<hbm>>
        tpu.enqueue_dma source(%dma_start3A_69 : memref<40x128xi32, #tpu.memory_space<hbm>>) target(%arg7 : memref<40x128xi32, #tpu.memory_space<vmem>>) target_semaphore(%run_scoped3A : memref<!tpu.dma_semaphore, #tpu.memory_space<semaphore_mem>>)
        %dma_wait3A_70 = arith.constant 0 : i32
        %dma_wait3A_71 = tpu.memref_slice %arg4[%add3A_31, %dma_wait3A_70] : memref<2560x128xi32, #tpu.memory_space<hbm>> -> memref<40x128xi32, #tpu.memory_space<hbm>>
        %dma_wait3A_72 = arith.constant 0 : i32
        %dma_wait3A_73 = tpu.memref_slice %arg4[%add3A_31, %dma_wait3A_72] : memref<2560x128xi32, #tpu.memory_space<hbm>> -> memref<40x128xi32, #tpu.memory_space<hbm>>
        tpu.wait_dma2 semaphore(%run_scoped3A : memref<!tpu.dma_semaphore, #tpu.memory_space<semaphore_mem>>) src(%dma_wait3A_73 : memref<40x128xi32, #tpu.memory_space<hbm>>) dst(%arg7 : memref<40x128xi32, #tpu.memory_space<vmem>>)
        tpu.yield
      }) : () -> ()
      %mul3A_32 = arith.constant 40 : i32
      %mul3A_33 = arith.muli %add3A_28, %mul3A_32 : i32
      %add3A_34 = arith.addi %mul3A_11, %mul3A_33 : i32
      "tpu.region"() ({
        %run_scoped3A = tpu.sem_alloc : memref<!tpu.dma_semaphore, #tpu.memory_space<semaphore_mem>>
        %dma_start3A_66 = arith.constant 0 : i32
        %dma_start3A_67 = tpu.memref_slice %arg5[%add3A_34, %dma_start3A_66] : memref<1280x128xi32, #tpu.memory_space<hbm>> -> memref<40x128xi32, #tpu.memory_space<hbm>>
        %dma_start3A_68 = arith.constant 0 : i32
        %dma_start3A_69 = tpu.memref_slice %arg5[%add3A_34, %dma_start3A_68] : memref<1280x128xi32, #tpu.memory_space<hbm>> -> memref<40x128xi32, #tpu.memory_space<hbm>>
        tpu.enqueue_dma source(%dma_start3A_69 : memref<40x128xi32, #tpu.memory_space<hbm>>) target(%arg8 : memref<40x128xi32, #tpu.memory_space<vmem>>) target_semaphore(%run_scoped3A : memref<!tpu.dma_semaphore, #tpu.memory_space<semaphore_mem>>)
        %dma_wait3A_70 = arith.constant 0 : i32
        %dma_wait3A_71 = tpu.memref_slice %arg5[%add3A_34, %dma_wait3A_70] : memref<1280x128xi32, #tpu.memory_space<hbm>> -> memref<40x128xi32, #tpu.memory_space<hbm>>
        %dma_wait3A_72 = arith.constant 0 : i32
        %dma_wait3A_73 = tpu.memref_slice %arg5[%add3A_34, %dma_wait3A_72] : memref<1280x128xi32, #tpu.memory_space<hbm>> -> memref<40x128xi32, #tpu.memory_space<hbm>>
        tpu.wait_dma2 semaphore(%run_scoped3A : memref<!tpu.dma_semaphore, #tpu.memory_space<semaphore_mem>>) src(%dma_wait3A_73 : memref<40x128xi32, #tpu.memory_space<hbm>>) dst(%arg8 : memref<40x128xi32, #tpu.memory_space<vmem>>)
        tpu.yield
      }) : () -> ()
      %dma_start3A = arith.constant 0 : i32
      %dma_start3A_35 = arith.constant 0 : i32
      %dma_start3A_36 = tpu.memref_slice %arg7[%dma_start3A, %dma_start3A_35] : memref<40x128xi32, #tpu.memory_space<vmem>> -> memref<1x128xi32, #tpu.memory_space<vmem>>
      %dma_start3A_37 = tpu.memref_squeeze %dma_start3A_36 : memref<1x128xi32, #tpu.memory_space<vmem>> -> memref<128xi32, #tpu.memory_space<vmem>>
      %dma_start3A_38 = arith.constant 0 : i32
      %dma_start3A_39 = arith.constant 0 : i32
      %dma_start3A_40 = tpu.memref_slice %arg3[%dma_start3A_38, %dma_start3A_39] : memref<20480x128xf32, #tpu.memory_space<hbm>> -> memref<20480x128xf32, #tpu.memory_space<hbm>>
      tpu.enqueue_indirect_dma source(%dma_start3A_40 : memref<20480x128xf32, #tpu.memory_space<hbm>>) target(%arg10 : memref<128x128xf32, #tpu.memory_space<vmem>>) offsets(%dma_start3A_37 : memref<128xi32, #tpu.memory_space<vmem>>) semaphore(%arg12 : memref<!tpu.dma_semaphore, #tpu.memory_space<semaphore_mem>>)
      %dma_start3A_41 = arith.constant 1 : i32
      %dma_start3A_42 = arith.constant 0 : i32
      %dma_start3A_43 = tpu.memref_slice %arg7[%dma_start3A_41, %dma_start3A_42] : memref<40x128xi32, #tpu.memory_space<vmem>> -> memref<1x128xi32, #tpu.memory_space<vmem>>
      %dma_start3A_44 = tpu.memref_squeeze %dma_start3A_43 : memref<1x128xi32, #tpu.memory_space<vmem>> -> memref<128xi32, #tpu.memory_space<vmem>>
      %dma_start3A_45 = arith.constant 0 : i32
      %dma_start3A_46 = arith.constant 0 : i32
      %dma_start3A_47 = tpu.memref_slice %arg3[%dma_start3A_45, %dma_start3A_46] : memref<20480x128xf32, #tpu.memory_space<hbm>> -> memref<20480x128xf32, #tpu.memory_space<hbm>>
      tpu.enqueue_indirect_dma source(%dma_start3A_47 : memref<20480x128xf32, #tpu.memory_space<hbm>>) target(%arg11 : memref<128x128xf32, #tpu.memory_space<vmem>>) offsets(%dma_start3A_44 : memref<128xi32, #tpu.memory_space<vmem>>) semaphore(%arg13 : memref<!tpu.dma_semaphore, #tpu.memory_space<semaphore_mem>>)
      %scan3A_48 = arith.constant 0 : i32
      %scan3A_49 = arith.constant 20 : i32
      %scan3A_50 = arith.addi %scan3A_48, %scan3A_49 : i32
      %scan3A_51 = arith.constant 1 : i32
      scf.for %scan3A_66 = %scan3A_48 to %scan3A_50 step %scan3A_51  : i32 {
        %mul3A_67 = arith.constant 2 : i32
        %mul3A_68 = arith.muli %scan3A_66, %mul3A_67 : i32
        %add3A_69 = arith.constant 0 : i32
        %add3A_70 = arith.addi %add3A_69, %mul3A_68 : i32
        %add3A_71 = arith.constant 0 : i32
        %add3A_72 = arith.addi %add3A_70, %add3A_71 : i32
        %dma_wait3A_73 = arith.constant 0 : i32
        %dma_wait3A_74 = tpu.memref_slice %arg7[%add3A_72, %dma_wait3A_73] : memref<40x128xi32, #tpu.memory_space<vmem>> -> memref<1x128xi32, #tpu.memory_space<vmem>>
        %dma_wait3A_75 = tpu.memref_squeeze %dma_wait3A_74 : memref<1x128xi32, #tpu.memory_space<vmem>> -> memref<128xi32, #tpu.memory_space<vmem>>
        %dma_wait3A_76 = arith.constant 0 : i32
        %dma_wait3A_77 = arith.constant 0 : i32
        %dma_wait3A_78 = tpu.memref_slice %arg3[%dma_wait3A_76, %dma_wait3A_77] : memref<20480x128xf32, #tpu.memory_space<hbm>> -> memref<20480x128xf32, #tpu.memory_space<hbm>>
        tpu.wait_indirect_dma semaphore(%arg12 : memref<!tpu.dma_semaphore, #tpu.memory_space<semaphore_mem>>) src(%dma_wait3A_78 : memref<20480x128xf32, #tpu.memory_space<hbm>>) dst(%arg10 : memref<128x128xf32, #tpu.memory_space<vmem>>)
        %dma_start3A_79 = arith.constant 0 : i32
        %dma_start3A_80 = tpu.memref_slice %arg8[%add3A_72, %dma_start3A_79] : memref<40x128xi32, #tpu.memory_space<vmem>> -> memref<1x128xi32, #tpu.memory_space<vmem>>
        %dma_start3A_81 = tpu.memref_squeeze %dma_start3A_80 : memref<1x128xi32, #tpu.memory_space<vmem>> -> memref<128xi32, #tpu.memory_space<vmem>>
        %dma_start3A_82 = arith.constant 0 : i32
        %dma_start3A_83 = arith.constant 0 : i32
        %dma_start3A_84 = tpu.memref_slice %arg9[%dma_start3A_82, %dma_start3A_83] : memref<10240x128xf32, #tpu.memory_space<vmem_shared>> -> memref<10240x128xf32, #tpu.memory_space<vmem_shared>>
        tpu.enqueue_indirect_dma source(%arg10 : memref<128x128xf32, #tpu.memory_space<vmem>>) target(%dma_start3A_84 : memref<10240x128xf32, #tpu.memory_space<vmem_shared>>) offsets(%dma_start3A_81 : memref<128xi32, #tpu.memory_space<vmem>>) semaphore(%arg14 : memref<!tpu.dma_semaphore, #tpu.memory_space<semaphore_mem>>) {add = true}
        %add3A_85 = arith.constant 2 : i32
        %add3A_86 = arith.addi %add3A_72, %add3A_85 : i32
        %lt3A = arith.constant 40 : i32
        %lt3A_87 = arith.cmpi slt, %add3A_86, %lt3A : i32
        %convert_element_type3A = arith.extui %lt3A_87 : i1 to i32
        %cond3A = arith.constant 0 : i32
        %cond3A_88 = arith.cmpi ne, %convert_element_type3A, %cond3A : i32
        scf.if %cond3A_88 {
          %dma_wait3A_110 = arith.constant 0 : i32
          %dma_wait3A_111 = tpu.memref_slice %arg8[%add3A_72, %dma_wait3A_110] : memref<40x128xi32, #tpu.memory_space<vmem>> -> memref<1x128xi32, #tpu.memory_space<vmem>>
          %dma_wait3A_112 = tpu.memref_squeeze %dma_wait3A_111 : memref<1x128xi32, #tpu.memory_space<vmem>> -> memref<128xi32, #tpu.memory_space<vmem>>
          %dma_wait3A_113 = arith.constant 0 : i32
          %dma_wait3A_114 = arith.constant 0 : i32
          %dma_wait3A_115 = tpu.memref_slice %arg9[%dma_wait3A_113, %dma_wait3A_114] : memref<10240x128xf32, #tpu.memory_space<vmem_shared>> -> memref<10240x128xf32, #tpu.memory_space<vmem_shared>>
          tpu.wait_indirect_dma semaphore(%arg14 : memref<!tpu.dma_semaphore, #tpu.memory_space<semaphore_mem>>) src(%arg10 : memref<128x128xf32, #tpu.memory_space<vmem>>) dst(%dma_wait3A_115 : memref<10240x128xf32, #tpu.memory_space<vmem_shared>>)
          %add3A_116 = arith.constant 2 : i32
          %add3A_117 = arith.addi %add3A_72, %add3A_116 : i32
          %dma_start3A_118 = arith.constant 0 : i32
          %dma_start3A_119 = tpu.memref_slice %arg7[%add3A_117, %dma_start3A_118] : memref<40x128xi32, #tpu.memory_space<vmem>> -> memref<1x128xi32, #tpu.memory_space<vmem>>
          %dma_start3A_120 = tpu.memref_squeeze %dma_start3A_119 : memref<1x128xi32, #tpu.memory_space<vmem>> -> memref<128xi32, #tpu.memory_space<vmem>>
          %dma_start3A_121 = arith.constant 0 : i32
          %dma_start3A_122 = arith.constant 0 : i32
          %dma_start3A_123 = tpu.memref_slice %arg3[%dma_start3A_121, %dma_start3A_122] : memref<20480x128xf32, #tpu.memory_space<hbm>> -> memref<20480x128xf32, #tpu.memory_space<hbm>>
          tpu.enqueue_indirect_dma source(%dma_start3A_123 : memref<20480x128xf32, #tpu.memory_space<hbm>>) target(%arg10 : memref<128x128xf32, #tpu.memory_space<vmem>>) offsets(%dma_start3A_120 : memref<128xi32, #tpu.memory_space<vmem>>) semaphore(%arg12 : memref<!tpu.dma_semaphore, #tpu.memory_space<semaphore_mem>>)
        } else {
        }
        %add3A_89 = arith.constant 1 : i32
        %add3A_90 = arith.addi %add3A_70, %add3A_89 : i32
        %dma_wait3A_91 = arith.constant 0 : i32
        %dma_wait3A_92 = tpu.memref_slice %arg7[%add3A_90, %dma_wait3A_91] : memref<40x128xi32, #tpu.memory_space<vmem>> -> memref<1x128xi32, #tpu.memory_space<vmem>>
        %dma_wait3A_93 = tpu.memref_squeeze %dma_wait3A_92 : memref<1x128xi32, #tpu.memory_space<vmem>> -> memref<128xi32, #tpu.memory_space<vmem>>
        %dma_wait3A_94 = arith.constant 0 : i32
        %dma_wait3A_95 = arith.constant 0 : i32
        %dma_wait3A_96 = tpu.memref_slice %arg3[%dma_wait3A_94, %dma_wait3A_95] : memref<20480x128xf32, #tpu.memory_space<hbm>> -> memref<20480x128xf32, #tpu.memory_space<hbm>>
        tpu.wait_indirect_dma semaphore(%arg13 : memref<!tpu.dma_semaphore, #tpu.memory_space<semaphore_mem>>) src(%dma_wait3A_96 : memref<20480x128xf32, #tpu.memory_space<hbm>>) dst(%arg11 : memref<128x128xf32, #tpu.memory_space<vmem>>)
        %dma_start3A_97 = arith.constant 0 : i32
        %dma_start3A_98 = tpu.memref_slice %arg8[%add3A_90, %dma_start3A_97] : memref<40x128xi32, #tpu.memory_space<vmem>> -> memref<1x128xi32, #tpu.memory_space<vmem>>
        %dma_start3A_99 = tpu.memref_squeeze %dma_start3A_98 : memref<1x128xi32, #tpu.memory_space<vmem>> -> memref<128xi32, #tpu.memory_space<vmem>>
        %dma_start3A_100 = arith.constant 0 : i32
        %dma_start3A_101 = arith.constant 0 : i32
        %dma_start3A_102 = tpu.memref_slice %arg9[%dma_start3A_100, %dma_start3A_101] : memref<10240x128xf32, #tpu.memory_space<vmem_shared>> -> memref<10240x128xf32, #tpu.memory_space<vmem_shared>>
        tpu.enqueue_indirect_dma source(%arg11 : memref<128x128xf32, #tpu.memory_space<vmem>>) target(%dma_start3A_102 : memref<10240x128xf32, #tpu.memory_space<vmem_shared>>) offsets(%dma_start3A_99 : memref<128xi32, #tpu.memory_space<vmem>>) semaphore(%arg15 : memref<!tpu.dma_semaphore, #tpu.memory_space<semaphore_mem>>) {add = true}
        %add3A_103 = arith.constant 2 : i32
        %add3A_104 = arith.addi %add3A_90, %add3A_103 : i32
        %lt3A_105 = arith.constant 40 : i32
        %lt3A_106 = arith.cmpi slt, %add3A_104, %lt3A_105 : i32
        %convert_element_type3A_107 = arith.extui %lt3A_106 : i1 to i32
        %cond3A_108 = arith.constant 0 : i32
        %cond3A_109 = arith.cmpi ne, %convert_element_type3A_107, %cond3A_108 : i32
        scf.if %cond3A_109 {
          %dma_wait3A_110 = arith.constant 0 : i32
          %dma_wait3A_111 = tpu.memref_slice %arg8[%add3A_90, %dma_wait3A_110] : memref<40x128xi32, #tpu.memory_space<vmem>> -> memref<1x128xi32, #tpu.memory_space<vmem>>
          %dma_wait3A_112 = tpu.memref_squeeze %dma_wait3A_111 : memref<1x128xi32, #tpu.memory_space<vmem>> -> memref<128xi32, #tpu.memory_space<vmem>>
          %dma_wait3A_113 = arith.constant 0 : i32
          %dma_wait3A_114 = arith.constant 0 : i32
          %dma_wait3A_115 = tpu.memref_slice %arg9[%dma_wait3A_113, %dma_wait3A_114] : memref<10240x128xf32, #tpu.memory_space<vmem_shared>> -> memref<10240x128xf32, #tpu.memory_space<vmem_shared>>
          tpu.wait_indirect_dma semaphore(%arg15 : memref<!tpu.dma_semaphore, #tpu.memory_space<semaphore_mem>>) src(%arg11 : memref<128x128xf32, #tpu.memory_space<vmem>>) dst(%dma_wait3A_115 : memref<10240x128xf32, #tpu.memory_space<vmem_shared>>)
          %add3A_116 = arith.constant 2 : i32
          %add3A_117 = arith.addi %add3A_90, %add3A_116 : i32
          %dma_start3A_118 = arith.constant 0 : i32
          %dma_start3A_119 = tpu.memref_slice %arg7[%add3A_117, %dma_start3A_118] : memref<40x128xi32, #tpu.memory_space<vmem>> -> memref<1x128xi32, #tpu.memory_space<vmem>>
          %dma_start3A_120 = tpu.memref_squeeze %dma_start3A_119 : memref<1x128xi32, #tpu.memory_space<vmem>> -> memref<128xi32, #tpu.memory_space<vmem>>
          %dma_start3A_121 = arith.constant 0 : i32
          %dma_start3A_122 = arith.constant 0 : i32
          %dma_start3A_123 = tpu.memref_slice %arg3[%dma_start3A_121, %dma_start3A_122] : memref<20480x128xf32, #tpu.memory_space<hbm>> -> memref<20480x128xf32, #tpu.memory_space<hbm>>
          tpu.enqueue_indirect_dma source(%dma_start3A_123 : memref<20480x128xf32, #tpu.memory_space<hbm>>) target(%arg11 : memref<128x128xf32, #tpu.memory_space<vmem>>) offsets(%dma_start3A_120 : memref<128xi32, #tpu.memory_space<vmem>>) semaphore(%arg13 : memref<!tpu.dma_semaphore, #tpu.memory_space<semaphore_mem>>)
        } else {
        }
      }
      %scan3A_52 = arith.constant 20 : i32
      %dma_wait3A = arith.constant 38 : i32
      %dma_wait3A_53 = arith.constant 0 : i32
      %dma_wait3A_54 = tpu.memref_slice %arg8[%dma_wait3A, %dma_wait3A_53] : memref<40x128xi32, #tpu.memory_space<vmem>> -> memref<1x128xi32, #tpu.memory_space<vmem>>
      %dma_wait3A_55 = tpu.memref_squeeze %dma_wait3A_54 : memref<1x128xi32, #tpu.memory_space<vmem>> -> memref<128xi32, #tpu.memory_space<vmem>>
      %dma_wait3A_56 = arith.constant 0 : i32
      %dma_wait3A_57 = arith.constant 0 : i32
      %dma_wait3A_58 = tpu.memref_slice %arg9[%dma_wait3A_56, %dma_wait3A_57] : memref<10240x128xf32, #tpu.memory_space<vmem_shared>> -> memref<10240x128xf32, #tpu.memory_space<vmem_shared>>
      tpu.wait_indirect_dma semaphore(%arg14 : memref<!tpu.dma_semaphore, #tpu.memory_space<semaphore_mem>>) src(%arg10 : memref<128x128xf32, #tpu.memory_space<vmem>>) dst(%dma_wait3A_58 : memref<10240x128xf32, #tpu.memory_space<vmem_shared>>)
      %dma_wait3A_59 = arith.constant 39 : i32
      %dma_wait3A_60 = arith.constant 0 : i32
      %dma_wait3A_61 = tpu.memref_slice %arg8[%dma_wait3A_59, %dma_wait3A_60] : memref<40x128xi32, #tpu.memory_space<vmem>> -> memref<1x128xi32, #tpu.memory_space<vmem>>
      %dma_wait3A_62 = tpu.memref_squeeze %dma_wait3A_61 : memref<1x128xi32, #tpu.memory_space<vmem>> -> memref<128xi32, #tpu.memory_space<vmem>>
      %dma_wait3A_63 = arith.constant 0 : i32
      %dma_wait3A_64 = arith.constant 0 : i32
      %dma_wait3A_65 = tpu.memref_slice %arg9[%dma_wait3A_63, %dma_wait3A_64] : memref<10240x128xf32, #tpu.memory_space<vmem_shared>> -> memref<10240x128xf32, #tpu.memory_space<vmem_shared>>
      tpu.wait_indirect_dma semaphore(%arg15 : memref<!tpu.dma_semaphore, #tpu.memory_space<semaphore_mem>>) src(%arg11 : memref<128x128xf32, #tpu.memory_space<vmem>>) dst(%dma_wait3A_65 : memref<10240x128xf32, #tpu.memory_space<vmem_shared>>)
    }
    %scan3A_15 = arith.constant 2 : i32
    %barrier3A_16 = arith.constant 0 : index
    tpu.barrier barrier_id(%barrier3A_16)
    %mul3A_17 = arith.constant 640 : i32
    %mul3A_18 = arith.muli %arg1, %mul3A_17 : i32
    %mul3A_19 = arith.constant 10240 : i32
    %mul3A_20 = arith.muli %arg0, %mul3A_19 : i32
    %mul3A_21 = arith.constant 640 : i32
    %mul3A_22 = arith.muli %arg1, %mul3A_21 : i32
    %add3A_23 = arith.addi %mul3A_20, %mul3A_22 : i32
    "tpu.region"() ({
      %run_scoped3A = tpu.sem_alloc : memref<!tpu.dma_semaphore, #tpu.memory_space<semaphore_mem>>
      %dma_start3A = arith.constant 0 : i32
      %dma_start3A_24 = tpu.memref_slice %arg6[%add3A_23, %dma_start3A] : memref<20480x128xf32, #tpu.memory_space<hbm>> -> memref<640x128xf32, #tpu.memory_space<hbm>>
      %dma_start3A_25 = arith.constant 0 : i32
      %dma_start3A_26 = tpu.memref_slice %arg9[%mul3A_18, %dma_start3A_25] : memref<10240x128xf32, #tpu.memory_space<vmem_shared>> -> memref<640x128xf32, #tpu.memory_space<vmem_shared>>
      tpu.enqueue_dma source(%dma_start3A_26 : memref<640x128xf32, #tpu.memory_space<vmem_shared>>) target(%dma_start3A_24 : memref<640x128xf32, #tpu.memory_space<hbm>>) target_semaphore(%run_scoped3A : memref<!tpu.dma_semaphore, #tpu.memory_space<semaphore_mem>>)
      %dma_wait3A = arith.constant 0 : i32
      %dma_wait3A_27 = tpu.memref_slice %arg6[%add3A_23, %dma_wait3A] : memref<20480x128xf32, #tpu.memory_space<hbm>> -> memref<640x128xf32, #tpu.memory_space<hbm>>
      %dma_wait3A_28 = arith.constant 0 : i32
      %dma_wait3A_29 = tpu.memref_slice %arg9[%mul3A_18, %dma_wait3A_28] : memref<10240x128xf32, #tpu.memory_space<vmem_shared>> -> memref<640x128xf32, #tpu.memory_space<vmem_shared>>
      tpu.wait_dma2 semaphore(%run_scoped3A : memref<!tpu.dma_semaphore, #tpu.memory_space<semaphore_mem>>) src(%dma_wait3A_29 : memref<640x128xf32, #tpu.memory_space<vmem_shared>>) dst(%dma_wait3A_27 : memref<640x128xf32, #tpu.memory_space<hbm>>)
      tpu.yield
    }) : () -> ()
    return
  }
}

#map = affine_map<(d0, d1) -> (0, 0)>
module attributes {stable_mosaic.version = 14 : i64} {
  func.func @_agg(%arg0: i32, %arg1: i32, %arg2: memref<20480x128xf32, #tpu.memory_space<hbm>>, %arg3: memref<20480x128xf32, #tpu.memory_space<hbm>>, %arg4: memref<2560x128xi32, #tpu.memory_space<hbm>>, %arg5: memref<1280x128xi32, #tpu.memory_space<hbm>>, %arg6: memref<20480x128xf32, #tpu.memory_space<hbm>>, %arg7: memref<40x128xi32, #tpu.memory_space<vmem>>, %arg8: memref<40x128xi32, #tpu.memory_space<vmem>>, %arg9: memref<10240x128xf32, #tpu.memory_space<vmem_shared>>, %arg10: memref<128x128xf32, #tpu.memory_space<vmem>>, %arg11: memref<128x128xf32, #tpu.memory_space<vmem>>, %arg12: memref<!tpu.dma_semaphore, #tpu.memory_space<semaphore_mem>>, %arg13: memref<!tpu.dma_semaphore, #tpu.memory_space<semaphore_mem>>, %arg14: memref<!tpu.dma_semaphore, #tpu.memory_space<semaphore_mem>>, %arg15: memref<!tpu.dma_semaphore, #tpu.memory_space<semaphore_mem>>) attributes {dimension_semantics = [#tpu.dimension_semantics<core_parallel>, #tpu.dimension_semantics<subcore_parallel>], iteration_bounds = array<i64: 2, 16>, scalar_prefetch = 0 : i64, scratch_operands = 9 : i64, tpu.core_type = #tpu.core_type<sc_vector_subcore>, window_params = [{transform_indices = #map}, {transform_indices = #map}, {transform_indices = #map}, {transform_indices = #map}, {transform_indices = #map}]} {
    %mul3A = arith.constant 10240 : i32
    %mul3A_0 = arith.muli %arg0, %mul3A : i32
    %mul3A_1 = arith.constant 640 : i32
    %mul3A_2 = arith.muli %arg1, %mul3A_1 : i32
    %add3A = arith.addi %mul3A_0, %mul3A_2 : i32
    %mul3A_3 = arith.constant 640 : i32
    %mul3A_4 = arith.muli %arg1, %mul3A_3 : i32
    "tpu.region"() ({
      %run_scoped3A = tpu.sem_alloc : memref<!tpu.dma_semaphore, #tpu.memory_space<semaphore_mem>>
      %dma_start3A = arith.constant 0 : i32
      %dma_start3A_24 = tpu.memref_slice %arg9[%mul3A_4, %dma_start3A] : memref<10240x128xf32, #tpu.memory_space<vmem_shared>> -> memref<640x128xf32, #tpu.memory_space<vmem_shared>>
      %dma_start3A_25 = arith.constant 0 : i32
      %dma_start3A_26 = tpu.memref_slice %arg2[%add3A, %dma_start3A_25] : memref<20480x128xf32, #tpu.memory_space<hbm>> -> memref<640x128xf32, #tpu.memory_space<hbm>>
      tpu.enqueue_dma source(%dma_start3A_26 : memref<640x128xf32, #tpu.memory_space<hbm>>) target(%dma_start3A_24 : memref<640x128xf32, #tpu.memory_space<vmem_shared>>) target_semaphore(%run_scoped3A : memref<!tpu.dma_semaphore, #tpu.memory_space<semaphore_mem>>)
      %dma_wait3A = arith.constant 0 : i32
      %dma_wait3A_27 = tpu.memref_slice %arg9[%mul3A_4, %dma_wait3A] : memref<10240x128xf32, #tpu.memory_space<vmem_shared>> -> memref<640x128xf32, #tpu.memory_space<vmem_shared>>
      %dma_wait3A_28 = arith.constant 0 : i32
      %dma_wait3A_29 = tpu.memref_slice %arg2[%add3A, %dma_wait3A_28] : memref<20480x128xf32, #tpu.memory_space<hbm>> -> memref<640x128xf32, #tpu.memory_space<hbm>>
      tpu.wait_dma2 semaphore(%run_scoped3A : memref<!tpu.dma_semaphore, #tpu.memory_space<semaphore_mem>>) src(%dma_wait3A_29 : memref<640x128xf32, #tpu.memory_space<hbm>>) dst(%dma_wait3A_27 : memref<640x128xf32, #tpu.memory_space<vmem_shared>>)
      tpu.yield
    }) : () -> ()
    %barrier3A = arith.constant 0 : index
    tpu.barrier barrier_id(%barrier3A)
    %mul3A_5 = arith.constant 1280 : i32
    %mul3A_6 = arith.muli %arg0, %mul3A_5 : i32
    %mul3A_7 = arith.constant 80 : i32
    %mul3A_8 = arith.muli %arg1, %mul3A_7 : i32
    %add3A_9 = arith.addi %mul3A_6, %mul3A_8 : i32
    %mul3A_10 = arith.constant 80 : i32
    %mul3A_11 = arith.muli %arg1, %mul3A_10 : i32
    %scan3A = arith.constant 0 : i32
    %scan3A_12 = arith.constant 2 : i32
    %scan3A_13 = arith.addi %scan3A, %scan3A_12 : i32
    %scan3A_14 = arith.constant 1 : i32
    scf.for %scan3A_24 = %scan3A to %scan3A_13 step %scan3A_14  : i32 {
      %mul3A_25 = arith.constant 1 : i32
      %mul3A_26 = arith.muli %scan3A_24, %mul3A_25 : i32
      %add3A_27 = arith.constant 0 : i32
      %add3A_28 = arith.addi %add3A_27, %mul3A_26 : i32
      %mul3A_29 = arith.constant 40 : i32
      %mul3A_30 = arith.muli %add3A_28, %mul3A_29 : i32
      %add3A_31 = arith.addi %add3A_9, %mul3A_30 : i32
      "tpu.region"() ({
        %run_scoped3A = tpu.sem_alloc : memref<!tpu.dma_semaphore, #tpu.memory_space<semaphore_mem>>
        %dma_start3A_66 = arith.constant 0 : i32
        %dma_start3A_67 = tpu.memref_slice %arg4[%add3A_31, %dma_start3A_66] : memref<2560x128xi32, #tpu.memory_space<hbm>> -> memref<40x128xi32, #tpu.memory_space<hbm>>
        %dma_start3A_68 = arith.constant 0 : i32
        %dma_start3A_69 = tpu.memref_slice %arg4[%add3A_31, %dma_start3A_68] : memref<2560x128xi32, #tpu.memory_space<hbm>> -> memref<40x128xi32, #tpu.memory_space<hbm>>
        tpu.enqueue_dma source(%dma_start3A_69 : memref<40x128xi32, #tpu.memory_space<hbm>>) target(%arg7 : memref<40x128xi32, #tpu.memory_space<vmem>>) target_semaphore(%run_scoped3A : memref<!tpu.dma_semaphore, #tpu.memory_space<semaphore_mem>>)
        %dma_wait3A_70 = arith.constant 0 : i32
        %dma_wait3A_71 = tpu.memref_slice %arg4[%add3A_31, %dma_wait3A_70] : memref<2560x128xi32, #tpu.memory_space<hbm>> -> memref<40x128xi32, #tpu.memory_space<hbm>>
        %dma_wait3A_72 = arith.constant 0 : i32
        %dma_wait3A_73 = tpu.memref_slice %arg4[%add3A_31, %dma_wait3A_72] : memref<2560x128xi32, #tpu.memory_space<hbm>> -> memref<40x128xi32, #tpu.memory_space<hbm>>
        tpu.wait_dma2 semaphore(%run_scoped3A : memref<!tpu.dma_semaphore, #tpu.memory_space<semaphore_mem>>) src(%dma_wait3A_73 : memref<40x128xi32, #tpu.memory_space<hbm>>) dst(%arg7 : memref<40x128xi32, #tpu.memory_space<vmem>>)
        tpu.yield
      }) : () -> ()
      %mul3A_32 = arith.constant 40 : i32
      %mul3A_33 = arith.muli %add3A_28, %mul3A_32 : i32
      %add3A_34 = arith.addi %mul3A_11, %mul3A_33 : i32
      "tpu.region"() ({
        %run_scoped3A = tpu.sem_alloc : memref<!tpu.dma_semaphore, #tpu.memory_space<semaphore_mem>>
        %dma_start3A_66 = arith.constant 0 : i32
        %dma_start3A_67 = tpu.memref_slice %arg5[%add3A_34, %dma_start3A_66] : memref<1280x128xi32, #tpu.memory_space<hbm>> -> memref<40x128xi32, #tpu.memory_space<hbm>>
        %dma_start3A_68 = arith.constant 0 : i32
        %dma_start3A_69 = tpu.memref_slice %arg5[%add3A_34, %dma_start3A_68] : memref<1280x128xi32, #tpu.memory_space<hbm>> -> memref<40x128xi32, #tpu.memory_space<hbm>>
        tpu.enqueue_dma source(%dma_start3A_69 : memref<40x128xi32, #tpu.memory_space<hbm>>) target(%arg8 : memref<40x128xi32, #tpu.memory_space<vmem>>) target_semaphore(%run_scoped3A : memref<!tpu.dma_semaphore, #tpu.memory_space<semaphore_mem>>)
        %dma_wait3A_70 = arith.constant 0 : i32
        %dma_wait3A_71 = tpu.memref_slice %arg5[%add3A_34, %dma_wait3A_70] : memref<1280x128xi32, #tpu.memory_space<hbm>> -> memref<40x128xi32, #tpu.memory_space<hbm>>
        %dma_wait3A_72 = arith.constant 0 : i32
        %dma_wait3A_73 = tpu.memref_slice %arg5[%add3A_34, %dma_wait3A_72] : memref<1280x128xi32, #tpu.memory_space<hbm>> -> memref<40x128xi32, #tpu.memory_space<hbm>>
        tpu.wait_dma2 semaphore(%run_scoped3A : memref<!tpu.dma_semaphore, #tpu.memory_space<semaphore_mem>>) src(%dma_wait3A_73 : memref<40x128xi32, #tpu.memory_space<hbm>>) dst(%arg8 : memref<40x128xi32, #tpu.memory_space<vmem>>)
        tpu.yield
      }) : () -> ()
      %dma_start3A = arith.constant 0 : i32
      %dma_start3A_35 = arith.constant 0 : i32
      %dma_start3A_36 = tpu.memref_slice %arg7[%dma_start3A, %dma_start3A_35] : memref<40x128xi32, #tpu.memory_space<vmem>> -> memref<1x128xi32, #tpu.memory_space<vmem>>
      %dma_start3A_37 = tpu.memref_squeeze %dma_start3A_36 : memref<1x128xi32, #tpu.memory_space<vmem>> -> memref<128xi32, #tpu.memory_space<vmem>>
      %dma_start3A_38 = arith.constant 0 : i32
      %dma_start3A_39 = arith.constant 0 : i32
      %dma_start3A_40 = tpu.memref_slice %arg3[%dma_start3A_38, %dma_start3A_39] : memref<20480x128xf32, #tpu.memory_space<hbm>> -> memref<20480x128xf32, #tpu.memory_space<hbm>>
      tpu.enqueue_indirect_dma source(%dma_start3A_40 : memref<20480x128xf32, #tpu.memory_space<hbm>>) target(%arg10 : memref<128x128xf32, #tpu.memory_space<vmem>>) offsets(%dma_start3A_37 : memref<128xi32, #tpu.memory_space<vmem>>) semaphore(%arg12 : memref<!tpu.dma_semaphore, #tpu.memory_space<semaphore_mem>>)
      %dma_start3A_41 = arith.constant 1 : i32
      %dma_start3A_42 = arith.constant 0 : i32
      %dma_start3A_43 = tpu.memref_slice %arg7[%dma_start3A_41, %dma_start3A_42] : memref<40x128xi32, #tpu.memory_space<vmem>> -> memref<1x128xi32, #tpu.memory_space<vmem>>
      %dma_start3A_44 = tpu.memref_squeeze %dma_start3A_43 : memref<1x128xi32, #tpu.memory_space<vmem>> -> memref<128xi32, #tpu.memory_space<vmem>>
      %dma_start3A_45 = arith.constant 0 : i32
      %dma_start3A_46 = arith.constant 0 : i32
      %dma_start3A_47 = tpu.memref_slice %arg3[%dma_start3A_45, %dma_start3A_46] : memref<20480x128xf32, #tpu.memory_space<hbm>> -> memref<20480x128xf32, #tpu.memory_space<hbm>>
      tpu.enqueue_indirect_dma source(%dma_start3A_47 : memref<20480x128xf32, #tpu.memory_space<hbm>>) target(%arg11 : memref<128x128xf32, #tpu.memory_space<vmem>>) offsets(%dma_start3A_44 : memref<128xi32, #tpu.memory_space<vmem>>) semaphore(%arg13 : memref<!tpu.dma_semaphore, #tpu.memory_space<semaphore_mem>>)
      %scan3A_48 = arith.constant 0 : i32
      %scan3A_49 = arith.constant 20 : i32
      %scan3A_50 = arith.addi %scan3A_48, %scan3A_49 : i32
      %scan3A_51 = arith.constant 1 : i32
      scf.for %scan3A_66 = %scan3A_48 to %scan3A_50 step %scan3A_51  : i32 {
        %mul3A_67 = arith.constant 2 : i32
        %mul3A_68 = arith.muli %scan3A_66, %mul3A_67 : i32
        %add3A_69 = arith.constant 0 : i32
        %add3A_70 = arith.addi %add3A_69, %mul3A_68 : i32
        %add3A_71 = arith.constant 0 : i32
        %add3A_72 = arith.addi %add3A_70, %add3A_71 : i32
        %dma_wait3A_73 = arith.constant 0 : i32
        %dma_wait3A_74 = tpu.memref_slice %arg7[%add3A_72, %dma_wait3A_73] : memref<40x128xi32, #tpu.memory_space<vmem>> -> memref<1x128xi32, #tpu.memory_space<vmem>>
        %dma_wait3A_75 = tpu.memref_squeeze %dma_wait3A_74 : memref<1x128xi32, #tpu.memory_space<vmem>> -> memref<128xi32, #tpu.memory_space<vmem>>
        %dma_wait3A_76 = arith.constant 0 : i32
        %dma_wait3A_77 = arith.constant 0 : i32
        %dma_wait3A_78 = tpu.memref_slice %arg3[%dma_wait3A_76, %dma_wait3A_77] : memref<20480x128xf32, #tpu.memory_space<hbm>> -> memref<20480x128xf32, #tpu.memory_space<hbm>>
        tpu.wait_indirect_dma semaphore(%arg12 : memref<!tpu.dma_semaphore, #tpu.memory_space<semaphore_mem>>) src(%dma_wait3A_78 : memref<20480x128xf32, #tpu.memory_space<hbm>>) dst(%arg10 : memref<128x128xf32, #tpu.memory_space<vmem>>)
        %dma_start3A_79 = arith.constant 0 : i32
        %dma_start3A_80 = tpu.memref_slice %arg8[%add3A_72, %dma_start3A_79] : memref<40x128xi32, #tpu.memory_space<vmem>> -> memref<1x128xi32, #tpu.memory_space<vmem>>
        %dma_start3A_81 = tpu.memref_squeeze %dma_start3A_80 : memref<1x128xi32, #tpu.memory_space<vmem>> -> memref<128xi32, #tpu.memory_space<vmem>>
        %dma_start3A_82 = arith.constant 0 : i32
        %dma_start3A_83 = arith.constant 0 : i32
        %dma_start3A_84 = tpu.memref_slice %arg9[%dma_start3A_82, %dma_start3A_83] : memref<10240x128xf32, #tpu.memory_space<vmem_shared>> -> memref<10240x128xf32, #tpu.memory_space<vmem_shared>>
        tpu.enqueue_indirect_dma source(%arg10 : memref<128x128xf32, #tpu.memory_space<vmem>>) target(%dma_start3A_84 : memref<10240x128xf32, #tpu.memory_space<vmem_shared>>) offsets(%dma_start3A_81 : memref<128xi32, #tpu.memory_space<vmem>>) semaphore(%arg14 : memref<!tpu.dma_semaphore, #tpu.memory_space<semaphore_mem>>) {add = true}
        %add3A_85 = arith.constant 2 : i32
        %add3A_86 = arith.addi %add3A_72, %add3A_85 : i32
        %lt3A = arith.constant 40 : i32
        %lt3A_87 = arith.cmpi slt, %add3A_86, %lt3A : i32
        %convert_element_type3A = arith.extui %lt3A_87 : i1 to i32
        %cond3A = arith.constant 0 : i32
        %cond3A_88 = arith.cmpi ne, %convert_element_type3A, %cond3A : i32
        scf.if %cond3A_88 {
          %dma_wait3A_110 = arith.constant 0 : i32
          %dma_wait3A_111 = tpu.memref_slice %arg8[%add3A_72, %dma_wait3A_110] : memref<40x128xi32, #tpu.memory_space<vmem>> -> memref<1x128xi32, #tpu.memory_space<vmem>>
          %dma_wait3A_112 = tpu.memref_squeeze %dma_wait3A_111 : memref<1x128xi32, #tpu.memory_space<vmem>> -> memref<128xi32, #tpu.memory_space<vmem>>
          %dma_wait3A_113 = arith.constant 0 : i32
          %dma_wait3A_114 = arith.constant 0 : i32
          %dma_wait3A_115 = tpu.memref_slice %arg9[%dma_wait3A_113, %dma_wait3A_114] : memref<10240x128xf32, #tpu.memory_space<vmem_shared>> -> memref<10240x128xf32, #tpu.memory_space<vmem_shared>>
          tpu.wait_indirect_dma semaphore(%arg14 : memref<!tpu.dma_semaphore, #tpu.memory_space<semaphore_mem>>) src(%arg10 : memref<128x128xf32, #tpu.memory_space<vmem>>) dst(%dma_wait3A_115 : memref<10240x128xf32, #tpu.memory_space<vmem_shared>>)
          %add3A_116 = arith.constant 2 : i32
          %add3A_117 = arith.addi %add3A_72, %add3A_116 : i32
          %dma_start3A_118 = arith.constant 0 : i32
          %dma_start3A_119 = tpu.memref_slice %arg7[%add3A_117, %dma_start3A_118] : memref<40x128xi32, #tpu.memory_space<vmem>> -> memref<1x128xi32, #tpu.memory_space<vmem>>
          %dma_start3A_120 = tpu.memref_squeeze %dma_start3A_119 : memref<1x128xi32, #tpu.memory_space<vmem>> -> memref<128xi32, #tpu.memory_space<vmem>>
          %dma_start3A_121 = arith.constant 0 : i32
          %dma_start3A_122 = arith.constant 0 : i32
          %dma_start3A_123 = tpu.memref_slice %arg3[%dma_start3A_121, %dma_start3A_122] : memref<20480x128xf32, #tpu.memory_space<hbm>> -> memref<20480x128xf32, #tpu.memory_space<hbm>>
          tpu.enqueue_indirect_dma source(%dma_start3A_123 : memref<20480x128xf32, #tpu.memory_space<hbm>>) target(%arg10 : memref<128x128xf32, #tpu.memory_space<vmem>>) offsets(%dma_start3A_120 : memref<128xi32, #tpu.memory_space<vmem>>) semaphore(%arg12 : memref<!tpu.dma_semaphore, #tpu.memory_space<semaphore_mem>>)
        } else {
        }
        %add3A_89 = arith.constant 1 : i32
        %add3A_90 = arith.addi %add3A_70, %add3A_89 : i32
        %dma_wait3A_91 = arith.constant 0 : i32
        %dma_wait3A_92 = tpu.memref_slice %arg7[%add3A_90, %dma_wait3A_91] : memref<40x128xi32, #tpu.memory_space<vmem>> -> memref<1x128xi32, #tpu.memory_space<vmem>>
        %dma_wait3A_93 = tpu.memref_squeeze %dma_wait3A_92 : memref<1x128xi32, #tpu.memory_space<vmem>> -> memref<128xi32, #tpu.memory_space<vmem>>
        %dma_wait3A_94 = arith.constant 0 : i32
        %dma_wait3A_95 = arith.constant 0 : i32
        %dma_wait3A_96 = tpu.memref_slice %arg3[%dma_wait3A_94, %dma_wait3A_95] : memref<20480x128xf32, #tpu.memory_space<hbm>> -> memref<20480x128xf32, #tpu.memory_space<hbm>>
        tpu.wait_indirect_dma semaphore(%arg13 : memref<!tpu.dma_semaphore, #tpu.memory_space<semaphore_mem>>) src(%dma_wait3A_96 : memref<20480x128xf32, #tpu.memory_space<hbm>>) dst(%arg11 : memref<128x128xf32, #tpu.memory_space<vmem>>)
        %dma_start3A_97 = arith.constant 0 : i32
        %dma_start3A_98 = tpu.memref_slice %arg8[%add3A_90, %dma_start3A_97] : memref<40x128xi32, #tpu.memory_space<vmem>> -> memref<1x128xi32, #tpu.memory_space<vmem>>
        %dma_start3A_99 = tpu.memref_squeeze %dma_start3A_98 : memref<1x128xi32, #tpu.memory_space<vmem>> -> memref<128xi32, #tpu.memory_space<vmem>>
        %dma_start3A_100 = arith.constant 0 : i32
        %dma_start3A_101 = arith.constant 0 : i32
        %dma_start3A_102 = tpu.memref_slice %arg9[%dma_start3A_100, %dma_start3A_101] : memref<10240x128xf32, #tpu.memory_space<vmem_shared>> -> memref<10240x128xf32, #tpu.memory_space<vmem_shared>>
        tpu.enqueue_indirect_dma source(%arg11 : memref<128x128xf32, #tpu.memory_space<vmem>>) target(%dma_start3A_102 : memref<10240x128xf32, #tpu.memory_space<vmem_shared>>) offsets(%dma_start3A_99 : memref<128xi32, #tpu.memory_space<vmem>>) semaphore(%arg15 : memref<!tpu.dma_semaphore, #tpu.memory_space<semaphore_mem>>) {add = true}
        %add3A_103 = arith.constant 2 : i32
        %add3A_104 = arith.addi %add3A_90, %add3A_103 : i32
        %lt3A_105 = arith.constant 40 : i32
        %lt3A_106 = arith.cmpi slt, %add3A_104, %lt3A_105 : i32
        %convert_element_type3A_107 = arith.extui %lt3A_106 : i1 to i32
        %cond3A_108 = arith.constant 0 : i32
        %cond3A_109 = arith.cmpi ne, %convert_element_type3A_107, %cond3A_108 : i32
        scf.if %cond3A_109 {
          %dma_wait3A_110 = arith.constant 0 : i32
          %dma_wait3A_111 = tpu.memref_slice %arg8[%add3A_90, %dma_wait3A_110] : memref<40x128xi32, #tpu.memory_space<vmem>> -> memref<1x128xi32, #tpu.memory_space<vmem>>
          %dma_wait3A_112 = tpu.memref_squeeze %dma_wait3A_111 : memref<1x128xi32, #tpu.memory_space<vmem>> -> memref<128xi32, #tpu.memory_space<vmem>>
          %dma_wait3A_113 = arith.constant 0 : i32
          %dma_wait3A_114 = arith.constant 0 : i32
          %dma_wait3A_115 = tpu.memref_slice %arg9[%dma_wait3A_113, %dma_wait3A_114] : memref<10240x128xf32, #tpu.memory_space<vmem_shared>> -> memref<10240x128xf32, #tpu.memory_space<vmem_shared>>
          tpu.wait_indirect_dma semaphore(%arg15 : memref<!tpu.dma_semaphore, #tpu.memory_space<semaphore_mem>>) src(%arg11 : memref<128x128xf32, #tpu.memory_space<vmem>>) dst(%dma_wait3A_115 : memref<10240x128xf32, #tpu.memory_space<vmem_shared>>)
          %add3A_116 = arith.constant 2 : i32
          %add3A_117 = arith.addi %add3A_90, %add3A_116 : i32
          %dma_start3A_118 = arith.constant 0 : i32
          %dma_start3A_119 = tpu.memref_slice %arg7[%add3A_117, %dma_start3A_118] : memref<40x128xi32, #tpu.memory_space<vmem>> -> memref<1x128xi32, #tpu.memory_space<vmem>>
          %dma_start3A_120 = tpu.memref_squeeze %dma_start3A_119 : memref<1x128xi32, #tpu.memory_space<vmem>> -> memref<128xi32, #tpu.memory_space<vmem>>
          %dma_start3A_121 = arith.constant 0 : i32
          %dma_start3A_122 = arith.constant 0 : i32
          %dma_start3A_123 = tpu.memref_slice %arg3[%dma_start3A_121, %dma_start3A_122] : memref<20480x128xf32, #tpu.memory_space<hbm>> -> memref<20480x128xf32, #tpu.memory_space<hbm>>
          tpu.enqueue_indirect_dma source(%dma_start3A_123 : memref<20480x128xf32, #tpu.memory_space<hbm>>) target(%arg11 : memref<128x128xf32, #tpu.memory_space<vmem>>) offsets(%dma_start3A_120 : memref<128xi32, #tpu.memory_space<vmem>>) semaphore(%arg13 : memref<!tpu.dma_semaphore, #tpu.memory_space<semaphore_mem>>)
        } else {
        }
      }
      %scan3A_52 = arith.constant 20 : i32
      %dma_wait3A = arith.constant 38 : i32
      %dma_wait3A_53 = arith.constant 0 : i32
      %dma_wait3A_54 = tpu.memref_slice %arg8[%dma_wait3A, %dma_wait3A_53] : memref<40x128xi32, #tpu.memory_space<vmem>> -> memref<1x128xi32, #tpu.memory_space<vmem>>
      %dma_wait3A_55 = tpu.memref_squeeze %dma_wait3A_54 : memref<1x128xi32, #tpu.memory_space<vmem>> -> memref<128xi32, #tpu.memory_space<vmem>>
      %dma_wait3A_56 = arith.constant 0 : i32
      %dma_wait3A_57 = arith.constant 0 : i32
      %dma_wait3A_58 = tpu.memref_slice %arg9[%dma_wait3A_56, %dma_wait3A_57] : memref<10240x128xf32, #tpu.memory_space<vmem_shared>> -> memref<10240x128xf32, #tpu.memory_space<vmem_shared>>
      tpu.wait_indirect_dma semaphore(%arg14 : memref<!tpu.dma_semaphore, #tpu.memory_space<semaphore_mem>>) src(%arg10 : memref<128x128xf32, #tpu.memory_space<vmem>>) dst(%dma_wait3A_58 : memref<10240x128xf32, #tpu.memory_space<vmem_shared>>)
      %dma_wait3A_59 = arith.constant 39 : i32
      %dma_wait3A_60 = arith.constant 0 : i32
      %dma_wait3A_61 = tpu.memref_slice %arg8[%dma_wait3A_59, %dma_wait3A_60] : memref<40x128xi32, #tpu.memory_space<vmem>> -> memref<1x128xi32, #tpu.memory_space<vmem>>
      %dma_wait3A_62 = tpu.memref_squeeze %dma_wait3A_61 : memref<1x128xi32, #tpu.memory_space<vmem>> -> memref<128xi32, #tpu.memory_space<vmem>>
      %dma_wait3A_63 = arith.constant 0 : i32
      %dma_wait3A_64 = arith.constant 0 : i32
      %dma_wait3A_65 = tpu.memref_slice %arg9[%dma_wait3A_63, %dma_wait3A_64] : memref<10240x128xf32, #tpu.memory_space<vmem_shared>> -> memref<10240x128xf32, #tpu.memory_space<vmem_shared>>
      tpu.wait_indirect_dma semaphore(%arg15 : memref<!tpu.dma_semaphore, #tpu.memory_space<semaphore_mem>>) src(%arg11 : memref<128x128xf32, #tpu.memory_space<vmem>>) dst(%dma_wait3A_65 : memref<10240x128xf32, #tpu.memory_space<vmem_shared>>)
    }
    %scan3A_15 = arith.constant 2 : i32
    %barrier3A_16 = arith.constant 0 : index
    tpu.barrier barrier_id(%barrier3A_16)
    %mul3A_17 = arith.constant 640 : i32
    %mul3A_18 = arith.muli %arg1, %mul3A_17 : i32
    %mul3A_19 = arith.constant 10240 : i32
    %mul3A_20 = arith.muli %arg0, %mul3A_19 : i32
    %mul3A_21 = arith.constant 640 : i32
    %mul3A_22 = arith.muli %arg1, %mul3A_21 : i32
    %add3A_23 = arith.addi %mul3A_20, %mul3A_22 : i32
    "tpu.region"() ({
      %run_scoped3A = tpu.sem_alloc : memref<!tpu.dma_semaphore, #tpu.memory_space<semaphore_mem>>
      %dma_start3A = arith.constant 0 : i32
      %dma_start3A_24 = tpu.memref_slice %arg6[%add3A_23, %dma_start3A] : memref<20480x128xf32, #tpu.memory_space<hbm>> -> memref<640x128xf32, #tpu.memory_space<hbm>>
      %dma_start3A_25 = arith.constant 0 : i32
      %dma_start3A_26 = tpu.memref_slice %arg9[%mul3A_18, %dma_start3A_25] : memref<10240x128xf32, #tpu.memory_space<vmem_shared>> -> memref<640x128xf32, #tpu.memory_space<vmem_shared>>
      tpu.enqueue_dma source(%dma_start3A_26 : memref<640x128xf32, #tpu.memory_space<vmem_shared>>) target(%dma_start3A_24 : memref<640x128xf32, #tpu.memory_space<hbm>>) target_semaphore(%run_scoped3A : memref<!tpu.dma_semaphore, #tpu.memory_space<semaphore_mem>>)
      %dma_wait3A = arith.constant 0 : i32
      %dma_wait3A_27 = tpu.memref_slice %arg6[%add3A_23, %dma_wait3A] : memref<20480x128xf32, #tpu.memory_space<hbm>> -> memref<640x128xf32, #tpu.memory_space<hbm>>
      %dma_wait3A_28 = arith.constant 0 : i32
      %dma_wait3A_29 = tpu.memref_slice %arg9[%mul3A_18, %dma_wait3A_28] : memref<10240x128xf32, #tpu.memory_space<vmem_shared>> -> memref<640x128xf32, #tpu.memory_space<vmem_shared>>
      tpu.wait_dma2 semaphore(%run_scoped3A : memref<!tpu.dma_semaphore, #tpu.memory_space<semaphore_mem>>) src(%dma_wait3A_29 : memref<640x128xf32, #tpu.memory_space<vmem_shared>>) dst(%dma_wait3A_27 : memref<640x128xf32, #tpu.memory_space<hbm>>)
      tpu.yield
    }) : () -> ()
    return
  }
}

module attributes {stable_mosaic.version = 14 : i64} {
  func.func @body(%arg0: i32, %arg1: memref<512x256xf32, #tpu.memory_space<vmem>>, %arg2: memref<256x256xf32, #tpu.memory_space<vmem>>, %arg3: memref<1x256xf32, #tpu.memory_space<vmem>>, %arg4: memref<2x512xf32, #tpu.memory_space<vmem>>, %arg5: memref<2x512x128xf32, #tpu.memory_space<vmem>>) attributes {dimension_semantics = [#tpu.dimension_semantics<arbitrary>], iteration_bounds = array<i64: 20>, scalar_prefetch = 0 : i64, scratch_operands = 0 : i64, tpu.core_type = #tpu.core_type<tc>, window_params = [{transform_indices = @transform_0, window_bounds = array<i64: 512, 256>}, {pipeline_mode = #tpu.pipeline_mode<synchronous>, transform_indices = @transform_1, window_bounds = array<i64: 256, 256>}, {pipeline_mode = #tpu.pipeline_mode<synchronous>, transform_indices = @transform_2, window_bounds = array<i64: 1, 256>}, {transform_indices = @transform_3, window_bounds = array<i64: 2, 512>}, {transform_indices = @transform_4, window_bounds = array<i64: 2, 512, 128>}]} {
    %get3A = arith.constant 0 : index
    %get3A_0 = arith.constant 0 : index
    %get3A_1 = vector.load %arg4[%get3A, %get3A_0] : memref<2x512xf32, #tpu.memory_space<vmem>>, vector<1x512xf32>
    %get3A_2 = vector.shape_cast %get3A_1 : vector<1x512xf32> to vector<512xf32>
    %add3A = arith.constant 1.000000e+00 : f32
    %add3A_3 = vector.broadcast %add3A : f32 to vector<512xf32>
    %add3A_4 = arith.addf %get3A_2, %add3A_3 : vector<512xf32>
    %rsqrt3A = math.rsqrt %add3A_4 : vector<512xf32>
    %get3A_5 = arith.constant 0 : index
    %get3A_6 = arith.constant 0 : index
    %get3A_7 = vector.load %arg1[%get3A_5, %get3A_6] : memref<512x256xf32, #tpu.memory_space<vmem>>, vector<512x256xf32>
    %get3A_8 = arith.constant 0 : index
    %get3A_9 = arith.constant 0 : index
    %get3A_10 = vector.load %arg2[%get3A_8, %get3A_9] : memref<256x256xf32, #tpu.memory_space<vmem>>, vector<256x256xf32>
    %dot_general3A = arith.constant dense<0.000000e+00> : vector<512x256xf32>
    %dot_general3A_11 = tpu.matmul %get3A_7, %get3A_10, %dot_general3A {dimension_numbers = #tpu.dot_dimension_numbers<[1], [0], [0], [1], [0, 0, 1, 1], [], []>, transpose_lhs_hint = false} : vector<512x256xf32>, vector<256x256xf32>, vector<512x256xf32> -> vector<512x256xf32>
    %get3A_12 = arith.constant 0 : index
    %get3A_13 = arith.constant 0 : index
    %get3A_14 = vector.load %arg3[%get3A_12, %get3A_13] : memref<1x256xf32, #tpu.memory_space<vmem>>, vector<1x256xf32>
    %add3A_15 = vector.broadcast %get3A_14 : vector<1x256xf32> to vector<512x256xf32>
    %add3A_16 = arith.addf %dot_general3A_11, %add3A_15 : vector<512x256xf32>
    %broadcast_in_dim3A = vector.shape_cast %rsqrt3A : vector<512xf32> to vector<512x1xf32>
    %mul3A = vector.broadcast %broadcast_in_dim3A : vector<512x1xf32> to vector<512x256xf32>
    %mul3A_17 = arith.mulf %add3A_16, %mul3A : vector<512x256xf32>
    %slice3A = vector.extract_strided_slice %mul3A_17 {offsets = [0, 0], sizes = [512, 128], strides = [1, 1]} : vector<512x256xf32> to vector<512x128xf32>
    %swap3A = arith.constant 0 : index
    %swap3A_18 = arith.constant 0 : index
    %swap3A_19 = arith.constant 0 : index
    %swap3A_20 = vector.load %arg5[%swap3A, %swap3A_18, %swap3A_19] : memref<2x512x128xf32, #tpu.memory_space<vmem>>, vector<1x512x128xf32>
    %swap3A_21 = vector.shape_cast %swap3A_20 : vector<1x512x128xf32> to vector<512x128xf32>
    %swap3A_22 = vector.shape_cast %slice3A : vector<512x128xf32> to vector<1x512x128xf32>
    tpu.vector_store %arg5[%swap3A, %swap3A_18, %swap3A_19], %swap3A_22 {strides = array<i32>} : memref<2x512x128xf32, #tpu.memory_space<vmem>>, vector<1x512x128xf32>,
    %slice3A_23 = vector.extract_strided_slice %mul3A_17 {offsets = [0, 128], sizes = [512, 128], strides = [1, 1]} : vector<512x256xf32> to vector<512x128xf32>
    %swap3A_24 = arith.constant 1 : index
    %swap3A_25 = arith.constant 0 : index
    %swap3A_26 = arith.constant 0 : index
    %swap3A_27 = vector.load %arg5[%swap3A_24, %swap3A_25, %swap3A_26] : memref<2x512x128xf32, #tpu.memory_space<vmem>>, vector<1x512x128xf32>
    %swap3A_28 = vector.shape_cast %swap3A_27 : vector<1x512x128xf32> to vector<512x128xf32>
    %swap3A_29 = vector.shape_cast %slice3A_23 : vector<512x128xf32> to vector<1x512x128xf32>
    tpu.vector_store %arg5[%swap3A_24, %swap3A_25, %swap3A_26], %swap3A_29 {strides = array<i32>} : memref<2x512x128xf32, #tpu.memory_space<vmem>>, vector<1x512x128xf32>,
    return
  }
  func.func @transform_0(%arg0: i32) -> (i32, i32) {
    %c0_i32 = arith.constant 0 : i32
    %c0_i32_0 = arith.constant 0 : i32
    return %arg0, %c0_i32 : i32, i32
  }
  func.func @transform_1(%arg0: i32) -> (i32, i32) {
    %c0_i32 = arith.constant 0 : i32
    %c0_i32_0 = arith.constant 0 : i32
    %c0_i32_1 = arith.constant 0 : i32
    return %c0_i32, %c0_i32_0 : i32, i32
  }
  func.func @transform_2(%arg0: i32) -> (i32, i32) {
    %c0_i32 = arith.constant 0 : i32
    %c0_i32_0 = arith.constant 0 : i32
    %c0_i32_1 = arith.constant 0 : i32
    return %c0_i32, %c0_i32_0 : i32, i32
  }
  func.func @transform_3(%arg0: i32) -> (i32, i32) {
    %c0_i32 = arith.constant 0 : i32
    %c0_i32_0 = arith.constant 0 : i32
    return %c0_i32, %arg0 : i32, i32
  }
  func.func @transform_4(%arg0: i32) -> (i32, i32, i32) {
    %c0_i32 = arith.constant 0 : i32
    %c0_i32_0 = arith.constant 0 : i32
    %c0_i32_1 = arith.constant 0 : i32
    return %c0_i32, %arg0, %c0_i32_0 : i32, i32, i32
  }
}

module attributes {stable_mosaic.version = 14 : i64} {
  func.func @body(%arg0: i32, %arg1: memref<2x512x128xf32, #tpu.memory_space<vmem>>, %arg2: memref<2x512xf32, #tpu.memory_space<vmem>>, %arg3: memref<256x256xf32, #tpu.memory_space<vmem>>, %arg4: memref<1x256xf32, #tpu.memory_space<vmem>>, %arg5: memref<2x512x128xf32, #tpu.memory_space<vmem>>) attributes {dimension_semantics = [#tpu.dimension_semantics<arbitrary>], iteration_bounds = array<i64: 20>, scalar_prefetch = 0 : i64, scratch_operands = 0 : i64, tpu.core_type = #tpu.core_type<tc>, window_params = [{transform_indices = @transform_0, window_bounds = array<i64: 2, 512, 128>}, {transform_indices = @transform_1, window_bounds = array<i64: 2, 512>}, {pipeline_mode = #tpu.pipeline_mode<synchronous>, transform_indices = @transform_2, window_bounds = array<i64: 256, 256>}, {pipeline_mode = #tpu.pipeline_mode<synchronous>, transform_indices = @transform_3, window_bounds = array<i64: 1, 256>}, {transform_indices = @transform_4, window_bounds = array<i64: 2, 512, 128>}]} {
    %get3A = arith.constant 1 : index
    %get3A_0 = arith.constant 0 : index
    %get3A_1 = vector.load %arg2[%get3A, %get3A_0] : memref<2x512xf32, #tpu.memory_space<vmem>>, vector<1x512xf32>
    %get3A_2 = vector.shape_cast %get3A_1 : vector<1x512xf32> to vector<512xf32>
    %add3A = arith.constant 1.000000e+00 : f32
    %add3A_3 = vector.broadcast %add3A : f32 to vector<512xf32>
    %add3A_4 = arith.addf %get3A_2, %add3A_3 : vector<512xf32>
    %get3A_5 = arith.constant 0 : index
    %get3A_6 = arith.constant 0 : index
    %get3A_7 = vector.load %arg2[%get3A_5, %get3A_6] : memref<2x512xf32, #tpu.memory_space<vmem>>, vector<1x512xf32>
    %get3A_8 = vector.shape_cast %get3A_7 : vector<1x512xf32> to vector<512xf32>
    %max3A = arith.constant 1.000000e+00 : f32
    %max3A_9 = vector.broadcast %max3A : f32 to vector<512xf32>
    %max3A_10 = arith.maximumf %get3A_8, %max3A_9 : vector<512xf32>
    %get3A_11 = arith.constant 0 : index
    %get3A_12 = arith.constant 0 : index
    %get3A_13 = arith.constant 0 : index
    %get3A_14 = vector.load %arg1[%get3A_11, %get3A_12, %get3A_13] : memref<2x512x128xf32, #tpu.memory_space<vmem>>, vector<1x512x128xf32>
    %get3A_15 = vector.shape_cast %get3A_14 : vector<1x512x128xf32> to vector<512x128xf32>
    %get3A_16 = arith.constant 1 : index
    %get3A_17 = arith.constant 0 : index
    %get3A_18 = arith.constant 0 : index
    %get3A_19 = vector.load %arg1[%get3A_16, %get3A_17, %get3A_18] : memref<2x512x128xf32, #tpu.memory_space<vmem>>, vector<1x512x128xf32>
    %get3A_20 = vector.shape_cast %get3A_19 : vector<1x512x128xf32> to vector<512x128xf32>
    %concatenate3A = tpu.concatenate %get3A_15, %get3A_20 in 1 : vector<512x128xf32>, vector<512x128xf32> -> vector<512x256xf32>
    %rsqrt3A = math.rsqrt %add3A_4 : vector<512xf32>
    %broadcast_in_dim3A = vector.shape_cast %rsqrt3A : vector<512xf32> to vector<512x1xf32>
    %mul3A = vector.broadcast %broadcast_in_dim3A : vector<512x1xf32> to vector<512x256xf32>
    %mul3A_21 = arith.mulf %concatenate3A, %mul3A : vector<512x256xf32>
    %get3A_22 = arith.constant 0 : index
    %get3A_23 = arith.constant 0 : index
    %get3A_24 = vector.load %arg3[%get3A_22, %get3A_23] : memref<256x256xf32, #tpu.memory_space<vmem>>, vector<256x256xf32>
    %dot_general3A = arith.constant dense<0.000000e+00> : vector<512x256xf32>
    %dot_general3A_25 = tpu.matmul %mul3A_21, %get3A_24, %dot_general3A {dimension_numbers = #tpu.dot_dimension_numbers<[1], [0], [0], [1], [0, 0, 1, 1], [], []>, transpose_lhs_hint = false} : vector<512x256xf32>, vector<256x256xf32>, vector<512x256xf32> -> vector<512x256xf32>
    %get3A_26 = arith.constant 0 : index
    %get3A_27 = arith.constant 0 : index
    %get3A_28 = vector.load %arg4[%get3A_26, %get3A_27] : memref<1x256xf32, #tpu.memory_space<vmem>>, vector<1x256xf32>
    %add3A_29 = vector.broadcast %get3A_28 : vector<1x256xf32> to vector<512x256xf32>
    %add3A_30 = arith.addf %dot_general3A_25, %add3A_29 : vector<512x256xf32>
    %rsqrt3A_31 = math.rsqrt %max3A_10 : vector<512xf32>
    %broadcast_in_dim3A_32 = vector.shape_cast %rsqrt3A_31 : vector<512xf32> to vector<512x1xf32>
    %mul3A_33 = vector.broadcast %broadcast_in_dim3A_32 : vector<512x1xf32> to vector<512x256xf32>
    %mul3A_34 = arith.mulf %add3A_30, %mul3A_33 : vector<512x256xf32>
    %slice3A = vector.extract_strided_slice %mul3A_34 {offsets = [0, 0], sizes = [512, 128], strides = [1, 1]} : vector<512x256xf32> to vector<512x128xf32>
    %swap3A = arith.constant 0 : index
    %swap3A_35 = arith.constant 0 : index
    %swap3A_36 = arith.constant 0 : index
    %swap3A_37 = vector.load %arg5[%swap3A, %swap3A_35, %swap3A_36] : memref<2x512x128xf32, #tpu.memory_space<vmem>>, vector<1x512x128xf32>
    %swap3A_38 = vector.shape_cast %swap3A_37 : vector<1x512x128xf32> to vector<512x128xf32>
    %swap3A_39 = vector.shape_cast %slice3A : vector<512x128xf32> to vector<1x512x128xf32>
    tpu.vector_store %arg5[%swap3A, %swap3A_35, %swap3A_36], %swap3A_39 {strides = array<i32>} : memref<2x512x128xf32, #tpu.memory_space<vmem>>, vector<1x512x128xf32>,
    %slice3A_40 = vector.extract_strided_slice %mul3A_34 {offsets = [0, 128], sizes = [512, 128], strides = [1, 1]} : vector<512x256xf32> to vector<512x128xf32>
    %swap3A_41 = arith.constant 1 : index
    %swap3A_42 = arith.constant 0 : index
    %swap3A_43 = arith.constant 0 : index
    %swap3A_44 = vector.load %arg5[%swap3A_41, %swap3A_42, %swap3A_43] : memref<2x512x128xf32, #tpu.memory_space<vmem>>, vector<1x512x128xf32>
    %swap3A_45 = vector.shape_cast %swap3A_44 : vector<1x512x128xf32> to vector<512x128xf32>
    %swap3A_46 = vector.shape_cast %slice3A_40 : vector<512x128xf32> to vector<1x512x128xf32>
    tpu.vector_store %arg5[%swap3A_41, %swap3A_42, %swap3A_43], %swap3A_46 {strides = array<i32>} : memref<2x512x128xf32, #tpu.memory_space<vmem>>, vector<1x512x128xf32>,
    return
  }
  func.func @transform_0(%arg0: i32) -> (i32, i32, i32) {
    %c0_i32 = arith.constant 0 : i32
    %c0_i32_0 = arith.constant 0 : i32
    %c0_i32_1 = arith.constant 0 : i32
    return %c0_i32, %arg0, %c0_i32_0 : i32, i32, i32
  }
  func.func @transform_1(%arg0: i32) -> (i32, i32) {
    %c0_i32 = arith.constant 0 : i32
    %c0_i32_0 = arith.constant 0 : i32
    return %c0_i32, %arg0 : i32, i32
  }
  func.func @transform_2(%arg0: i32) -> (i32, i32) {
    %c0_i32 = arith.constant 0 : i32
    %c0_i32_0 = arith.constant 0 : i32
    %c0_i32_1 = arith.constant 0 : i32
    return %c0_i32, %c0_i32_0 : i32, i32
  }
  func.func @transform_3(%arg0: i32) -> (i32, i32) {
    %c0_i32 = arith.constant 0 : i32
    %c0_i32_0 = arith.constant 0 : i32
    %c0_i32_1 = arith.constant 0 : i32
    return %c0_i32, %c0_i32_0 : i32, i32
  }
  func.func @transform_4(%arg0: i32) -> (i32, i32, i32) {
    %c0_i32 = arith.constant 0 : i32
    %c0_i32_0 = arith.constant 0 : i32
    %c0_i32_1 = arith.constant 0 : i32
    return %c0_i32, %arg0, %c0_i32_0 : i32, i32, i32
  }
}

module attributes {stable_mosaic.version = 14 : i64} {
  func.func @body(%arg0: i32, %arg1: memref<2x512x128xf32, #tpu.memory_space<vmem>>, %arg2: memref<2x512xf32, #tpu.memory_space<vmem>>, %arg3: memref<512x256xf32, #tpu.memory_space<vmem>>) attributes {dimension_semantics = [#tpu.dimension_semantics<arbitrary>], iteration_bounds = array<i64: 20>, scalar_prefetch = 0 : i64, scratch_operands = 0 : i64, tpu.core_type = #tpu.core_type<tc>, window_params = [{transform_indices = @transform_0, window_bounds = array<i64: 2, 512, 128>}, {transform_indices = @transform_1, window_bounds = array<i64: 2, 512>}, {transform_indices = @transform_2, window_bounds = array<i64: 512, 256>}]} {
    %get3A = arith.constant 1 : index
    %get3A_0 = arith.constant 0 : index
    %get3A_1 = vector.load %arg2[%get3A, %get3A_0] : memref<2x512xf32, #tpu.memory_space<vmem>>, vector<1x512xf32>
    %get3A_2 = vector.shape_cast %get3A_1 : vector<1x512xf32> to vector<512xf32>
    %max3A = arith.constant 1.000000e+00 : f32
    %max3A_3 = vector.broadcast %max3A : f32 to vector<512xf32>
    %max3A_4 = arith.maximumf %get3A_2, %max3A_3 : vector<512xf32>
    %get3A_5 = arith.constant 0 : index
    %get3A_6 = arith.constant 0 : index
    %get3A_7 = arith.constant 0 : index
    %get3A_8 = vector.load %arg1[%get3A_5, %get3A_6, %get3A_7] : memref<2x512x128xf32, #tpu.memory_space<vmem>>, vector<1x512x128xf32>
    %get3A_9 = vector.shape_cast %get3A_8 : vector<1x512x128xf32> to vector<512x128xf32>
    %get3A_10 = arith.constant 1 : index
    %get3A_11 = arith.constant 0 : index
    %get3A_12 = arith.constant 0 : index
    %get3A_13 = vector.load %arg1[%get3A_10, %get3A_11, %get3A_12] : memref<2x512x128xf32, #tpu.memory_space<vmem>>, vector<1x512x128xf32>
    %get3A_14 = vector.shape_cast %get3A_13 : vector<1x512x128xf32> to vector<512x128xf32>
    %concatenate3A = tpu.concatenate %get3A_9, %get3A_14 in 1 : vector<512x128xf32>, vector<512x128xf32> -> vector<512x256xf32>
    %rsqrt3A = math.rsqrt %max3A_4 : vector<512xf32>
    %broadcast_in_dim3A = vector.shape_cast %rsqrt3A : vector<512xf32> to vector<512x1xf32>
    %mul3A = vector.broadcast %broadcast_in_dim3A : vector<512x1xf32> to vector<512x256xf32>
    %mul3A_15 = arith.mulf %concatenate3A, %mul3A : vector<512x256xf32>
    %swap3A = arith.constant 0 : index
    %swap3A_16 = arith.constant 0 : index
    %swap3A_17 = vector.load %arg3[%swap3A, %swap3A_16] : memref<512x256xf32, #tpu.memory_space<vmem>>, vector<512x256xf32>
    tpu.vector_store %arg3[%swap3A, %swap3A_16], %mul3A_15 {strides = array<i32>} : memref<512x256xf32, #tpu.memory_space<vmem>>, vector<512x256xf32>,
    return
  }
  func.func @transform_0(%arg0: i32) -> (i32, i32, i32) {
    %c0_i32 = arith.constant 0 : i32
    %c0_i32_0 = arith.constant 0 : i32
    %c0_i32_1 = arith.constant 0 : i32
    return %c0_i32, %arg0, %c0_i32_0 : i32, i32, i32
  }
  func.func @transform_1(%arg0: i32) -> (i32, i32) {
    %c0_i32 = arith.constant 0 : i32
    %c0_i32_0 = arith.constant 0 : i32
    return %c0_i32, %arg0 : i32, i32
  }
  func.func @transform_2(%arg0: i32) -> (i32, i32) {
    %c0_i32 = arith.constant 0 : i32
    %c0_i32_0 = arith.constant 0 : i32
    return %arg0, %c0_i32 : i32, i32
  }
}

</mosaic_0001>

<sc_bundles>
// kernel: kernel.11.cloned.1.call-start
scs
__scs_entry_jumppad:
0x0: {  	(pc) =	sbr.rel $0x88, $3  }
0x1: {  	(tag) =	ssettag $0x0;
	lr =	simm.s32 $0x1  }
0x2: {  	[smem:$0x3F9B] =	sst lr;
	_ =	strace $0xD0000000  }
0x3: {  	_ = 	snop  }
0x4: {  	_ = 	snop  }
0x5: {  	_ = 	snop  }
0x6: {  	_ = 	snop  }
0x7: {  	_ = 	snop  }
__scs_overlays_trampoline_lowered:
0x8: {  	[smem:$0x3FAA] =	sst s0  }
0x9: {  	[smem:$0x3FAB] =	sst s1  }
0xa: {  	[smem:$0x3FAC] =	sst s2  }
0xb: {  	[smem:$0x3FAD] =	sst s3  }
0xc: {  	[smem:$0x3FAE] =	sst s4  }
0xd: {  	[smem:$0x3FAF] =	sst s5  }
0xe: {  	[smem:$0x3FB0] =	sst s6  }
0xf: {  	[smem:$0x3FB1] =	sst s7  }
0x10: {  	[smem:$0x3FB2] =	sst s8  }
0x11: {  	[smem:$0x3FB3] =	sst s9;
	s0 =	simm.s32 @!p0 $0x0  }
0x12: {  	s1 =	sld [smem:$0x3F99];
	s0 =	simm.s32 @p0 $0x1  }
0x13: {  	[smem:$0x3FB4] =	sst s0;
	s0 =	simm.s32 @!p1 $0x0  }
0x14: {  	s2 =	sld [smem:$0x3F98];
	s0 =	simm.s32 @p1 $0x1  }
0x15: {  	[smem:$0x3FB5] =	sst s0;
	s0 =	simm.s32 @!p2 $0x0  }
0x16: {  	s3 =	sld [smem:$0x3FDB];
	s0 =	simm.s32 @p2 $0x1  }
0x17: {  	s4 =	simm.s32 $0x1BF5;
	[smem:$0x3FB7] =	sst s0  }
0x18: {  	s0 =	sld [smem:$0x3F9A];
	_ =	swait.ge [sflag:s4], $0x0  }
0x19: {  	s7 =	sld [smem:$0x3F9B]  }
0x1a: {  	s8 =	sadd.s32 $0xFFFFE003, lr  }
0x1b: {  	s9 =	sadd.s32 $0xFFFFFEF7, lr;
	s5 =	simm.s32 $0xFFFFFFFF;
	p2 =	slt.u32 s8, $0xFFFFF086  }
0x1c: {  	p1 =	slt.u32 s9, $0xF7A;
	s5 =	simm.s32 @!p2 $0x0  }
0x1d: {  	s5 =	simm.s32 @p1 $0x1;
	p0 =	seq.s32 s7, s2  }
0x1e: {  	s7 =	smul.u32 @!p0 $0xF7A, s2;
	p2 =	seq.s32 @!p0 s5, $0x0  }
0x1f: {  	s9 =	smul.u32 $0xF7A, s1;
	s8 =	simm.s32 @!p0 $0x1BF5;
	p2 =	por !p2, p0  }
0x20: {  	[sflag:s8] =	ssyncset.s32 @!p0 $0xFFFFF086;
	s6 =	sadd.s32 @!p0 s3, s7;
	s7 =	simm.s32 @!p0 $0x108  }
0x21: {  	s3 =	sadd.s32 s3, s9;
	s6 =	sadd.s32 @!p0 $0x88, s6;
	s7 =	simm.s32 @p2 $0x1082  }
0x22: {  	[simem:s7], [sflag:s8] =	dma.local @!p0 [hbm:s6], $0xF7A  }
0x23: {  	s9 =	sor.u32 $0xD0000000, s2;
	s6 =	simm.s32 $0x108;
	_ =	swait.ge @!p0 [sflag:s8], $0x0  }
0x24: {  	s3 =	sadd.s32 $0x88, s3;
	s6 =	simm.s32 @!p1 $0x1082;
	[sflag:s4] =	ssyncset.s32 $0xFFFFF086  }
0x25: {  	[simem:s6], [sflag:s4] =	dma.local [hbm:s3], $0xF7A  }
0x26: {  	[smem:$0x3F9B] =	sst s1;
	(tag) =	ssettag s2;
	_ =	strace s9  }
0x27: {  	s1 =	sld [smem:$0x3FAB]  }
0x28: {  	s2 =	sld [smem:$0x3FAC]  }
0x29: {  	s4 =	sld [smem:$0x3FAE]  }
0x2a: {  	p0 =	seq.s32 s5, $0x0;
	s5 =	sld [smem:$0x3FAF]  }
0x2b: {  	s6 =	sld [smem:$0x3FB0]  }
0x2c: {  	s7 =	sld [smem:$0x3FB1]  }
0x2d: {  	s3 =	simm.s32 $0x108;
	s8 =	sld [smem:$0x3FB2]  }
0x2e: {  	s3 =	simm.s32 @!p0 $0x1082;
	s9 =	sld [smem:$0x3FB3]  }
0x2f: {  	lr =	sadd.s32 s0, s3;
	s0 =	sld [smem:$0x3FAA]  }
0x30: {  	s3 =	sld [smem:$0x3FAD]  }
0x31: {  	[smem:$0x3FB6] =	sst s10  }
0x32: {  	s10 =	sld [smem:$0x3FB4];
	_ =	sdelay $0x3  }
0x33: {  	p0 =	seq.s32 s10, $0x1;
	s10 =	sld [smem:$0x3FB6];
	_ =	sdelay $0x3  }
0x34: {  	[smem:$0x3FB6] =	sst s10  }
0x35: {  	s10 =	sld [smem:$0x3FB5];
	_ =	sdelay $0x3  }
0x36: {  	p1 =	seq.s32 s10, $0x1;
	s10 =	sld [smem:$0x3FB6];
	_ =	sdelay $0x3  }
0x37: {  	[smem:$0x3FB6] =	sst s10  }
0x38: {  	s10 =	sld [smem:$0x3FB7]  }
0x39: {  	_ = 	snop;
	(pc) =	sbr.ind lr, $3  }
0x3a: {  	_ = 	snop  }
0x3b: {  	_ = 	snop  }
0x3c: {  	p2 =	seq.s32 s10, $0x1;
	s10 =	sld [smem:$0x3FB6]  }
0x3d: {  	_ =	shalt  }
0x3e: {  	_ =	shalt  }
0x3f: {  	_ =	shalt  }
0x40: {  	_ =	shalt  }
0x41: {  	_ =	shalt  }
0x42: {  	_ =	shalt  }
0x43: {  	_ =	shalt  }
0x44: {  	_ =	shalt  }
0x45: {  	_ =	shalt  }
0x46: {  	_ =	shalt  }
0x47: {  	_ =	shalt  }
0x48: {  	_ =	shalt  }
0x49: {  	_ =	shalt  }
0x4a: {  	_ =	shalt  }
0x4b: {  	_ =	shalt  }
0x4c: {  	_ =	shalt  }
0x4d: {  	_ =	shalt  }
0x4e: {  	_ =	shalt  }
0x4f: {  	_ =	shalt  }
0x50: {  	_ =	shalt  }
0x51: {  	_ =	shalt  }
0x52: {  	_ =	shalt  }
0x53: {  	_ =	shalt  }
0x54: {  	_ =	shalt  }
0x55: {  	_ =	shalt  }
0x56: {  	_ =	shalt  }
0x57: {  	_ =	shalt  }
0x58: {  	_ =	shalt  }
0x59: {  	_ =	shalt  }
0x5a: {  	_ =	shalt  }
0x5b: {  	_ =	shalt  }
0x5c: {  	_ =	shalt  }
0x5d: {  	_ =	shalt  }
0x5e: {  	_ =	shalt  }
0x5f: {  	_ =	shalt  }
0x60: {  	_ =	shalt  }
0x61: {  	_ =	shalt  }
0x62: {  	_ =	shalt  }
0x63: {  	_ =	shalt  }
0x64: {  	_ =	shalt  }
0x65: {  	_ =	shalt  }
0x66: {  	_ =	shalt  }
0x67: {  	_ =	shalt  }
0x68: {  	_ =	shalt  }
0x69: {  	_ =	shalt  }
0x6a: {  	_ =	shalt  }
0x6b: {  	_ =	shalt  }
0x6c: {  	_ =	shalt  }
0x6d: {  	_ =	shalt  }
0x6e: {  	_ =	shalt  }
0x6f: {  	_ =	shalt  }
0x70: {  	_ =	shalt  }
0x71: {  	_ =	shalt  }
0x72: {  	_ =	shalt  }
0x73: {  	_ =	shalt  }
0x74: {  	_ =	shalt  }
0x75: {  	_ =	shalt  }
0x76: {  	_ =	shalt  }
0x77: {  	_ =	shalt  }
0x78: {  	_ =	shalt  }
0x79: {  	_ =	shalt  }
0x7a: {  	_ =	shalt  }
0x7b: {  	_ =	shalt  }
0x7c: {  	_ =	shalt  }
0x7d: {  	_ =	shalt  }
0x7e: {  	_ =	shalt  }
0x7f: {  	_ =	shalt  }
0x80: {  	_ =	shalt  }
0x81: {  	_ =	shalt  }
0x82: {  	_ =	shalt  }
0x83: {  	_ =	shalt  }
0x84: {  	_ =	shalt  }
0x85: {  	_ =	shalt  }
0x86: {  	_ =	shalt  }
0x87: {  	_ =	shalt  }
.Lfunc_end0:
.L_simem_size_0:
called_computation.1_lowered:
.L_overlay_start_0:
0x88: {  	s2 =	sld [smem:$0x3FD9]  }
0x89: {  	s3 =	sld [smem:$0x3FFE];
	_ =	sdelay $0x1  }
0x8a: {  	s1 =	srdreg.scid  }
0x8b: {  	s0 =	sand.u32 $0x1, s1  }
0x8c: {  	s17 =	sshll.u32 s0, $0xA;
	s2 =	sadd.s32 s3, s2  }
0x8d: {  	s2 =	sadd.s32 s2, s17  }
0x8e: {  	[smem:$0x3FC2] =	sst s2  }
0x8f: {  	_ = 	snop  }
0x90: {  	s2 =	sld [smem:$0x3FD0];
	(tm) =	ssettm $0x1  }
0x91: {  	s18 =	sld [smem:$0x3FFB];
	_ =	sdelay $0x3  }
0x92: {  	_ =	strace s18  }
0x93: {  	s3 =	sld [smem:$0x3FFC];
	_ =	sdelay $0x3  }
0x94: {  	_ =	strace s3  }
0x95: {  	s3 =	sld [smem:$0x3FFD];
	_ =	sdelay $0x3  }
0x96: {  	_ =	strace s3  }
0x97: {  	_ =	strace $0x8FFFFFFF  }
0x98: {  	s19 =	sld [smem:$0x3FDB];
	_ =	sdelay $0x1  }
0x99: {  	s4 =	simm.s32 $_scs_section_size  }
0x9a: {  	s5 =	simm.s32 $_size__tile_overlayer_lowered;
	s6 =	simm.s32 $_tile_overlayer_lowered  }
0x9b: {  	s22 =	simm.s32 $0x1BFF;
	s21 =	sshll.u32 s6, $0x1;
	s3 =	sadd.s32 s4, s19  }
0x9c: {  	s7 =	simm.s32 $0x0;
	s20 =	sshll.u32 s5, $0x1;
	s5 =	sadd.s32 s21, s3  }
0x9d: {  	[timem:s7], [sflag:s22] =	dma.local [hbm:s5], s20  }
0x9e: {  	_ =	swait.ge [sflag:s22], s20  }
0x9f: {  	s4 =	ssub.s32 $0x0, s20;
	[sflag:s22] =	ssyncset.done $0x0  }
0xa0: {  	[sflag:s22] =	ssyncadd.s32 s4;
	_ =	sdelay $0x1  }
0xa1: {  	s23 =	simm.s32 $0x1B8B  }
0xa2: {  	_ =	swait.ge [sflag:s23], $0x1  }
0xa3: {  	[sflag:s23] =	ssyncset.done $0x0  }
0xa4: {  	s25 =	simm.s32 $0x1B8E;
	s24 =	sld [smem:$0x3FFE];
	[sflag:s23] =	ssyncadd.s32 $0xFFFFFFFF  }
0xa5: {  	s26 =	simm.s32 $execute0_lowered;
	[smem:$0x3FD2] =	sst s25  }
0xa6: {  	s5 =	sshll.u32 s26, $0x1;
	_ =	strace $0x80000049;
	[dreg:$0x1] =	wrdreg $0xFFFFFFFF  }
0xa7: {  	s28 =	simm.s32 $_size_execute0_lowered;
	s3 =	sadd.s32 s3, s5;
	[dreg:$0x0] =	wrdreg $0x0  }
0xa8: {  	s5 =	sshll.u32 s28, $0x1;
	[dreg:$0x2] =	wrdreg s3  }
0xa9: {  	[dreg:$0x3] =	wrdreg s5  }
0xaa: {  	[dreg:$0x4] =	wrdreg $0xC0  }
0xab: {  	_ =	task [dreg:s7], $0x5FFFF  }
0xac: {  	[dreg:$0x1] =	wrdreg $0xFFFFFFFF  }
0xad: {  	[dreg:$0x0] =	wrdreg $0x60  }
0xae: {  	[dreg:$0x2] =	wrdreg s24  }
0xaf: {  	[dreg:$0x3] =	wrdreg s2  }
0xb0: {  	[dreg:$0x4] =	wrdreg $0x28000  }
0xb1: {  	[dreg:$0x5] =	wrdreg $0x9  }
0xb2: {  	_ =	task.clear_ibuf [dreg:s7], $0x6FFFF;
	_ =	strace $0x90000049  }
0xb3: {  	s29 =	simm.s32 $0x9;
	_ =	strace $0x8000004B  }
0xb4: {  	_ =	swait.ge [sflag:s29], $0x1  }
0xb5: {  	[sflag:s29] =	ssyncadd.s32 $0xFFFFFFFF  }
0xb6: {  	_ =	strace $0x9000004B  }
0xb7: {  	_ =	sfence  }
0xb8: {  	s30 =	sld [smem:$0x0];
	_ =	sdelay $0x2  }
0xb9: {  	s31 =	sshll.u32 s1, $0xD;
	s1 =	sshrl.u32 s1, $0x2  }
0xba: {  	s3 =	sand.u32 $0x4000, s31;
	s1 =	sadd.s32 s1, s30  }
0xbb: {  	s0 =	sor.u32 s3, s0;
	s1 =	sshll.u32 s1, $0x11  }
0xbc: {  	s0 =	sor.u32 s1, s0  }
0xbd: {  	s0 =	sadd.s32 $0x8F2B, s0  }
0xbe: {  	[sflag:s0] =	ssyncadd.remote.s32 $0x1  }
0xbf: {  	_ =	sfence.sel $0xFFFF  }
0xc0: {  	[dreg:$0x0] =	wrdreg $0xFFFFFFFF;
	(pc) =	sbr.abs _section_cstart, $3  }
0xc1: {  	[dreg:$0x1] =	wrdreg $0xFFFFFFFF  }
0xc2: {  	_ =	task.clear_ibuf [dreg:s7], $0x2FFFF;
	_ =	strace $0x9FFFFFFF  }
0xc3: {  	(tm) =	ssettm $0x7FFFFFFF  }
tec
execute0_lowered:
.L_overlay_start_1:
0x0: {  	(tag) =	ssettag $0x1  }
0x1: {  	s5 =	rddreg [dreg:$0x0]  }
0x2: {  	s9 =	rddreg [dreg:$0x1];
	s0 =	stileid.u32  }
0x3: {  	s1 =	srdreg.scid;
	s2 =	rddreg [dreg:$0x2]  }
0x4: {  	s3 =	simm.s32 $0x0;
	s16 =	simm.s32 $0x80;
	s17 =	simm.s32 $0x16800  }
0x5: {  	s18 =	simm.s32 $0x1A800;
	s19 =	simm.s32 $0x1;
	s20 =	simm.s32 $0x3  }
0x6: {  	s21 =	simm.s32 $0x2;
	s22 =	simm.s32 $0x4;
	s6 =	smul.u32 $0x500, s0  }
0x7: {  	s23 =	simm.s32 $0x2700;
	s24 =	simm.s32 $0x2780;
	s10 =	smul.u32 $0x280, s0  }
0x8: {  	s7 =	sand.u32 $0x1, s1;
	s1 =	rddreg [dreg:$0x3];
	s26 =	smul.u32 $0x50000, s0  }
0x9: {  	[smem:$0x7FF] =	sst s3;
	s4 =	sadd.s32 $0x7600, s5;
	s13 =	smul.u32 $0x50, s0  }
0xa: {  	s29 =	sshll.u32 s0, $0x6;
	s8 =	smul.u32 $0x2800, s7;
	_ =	strace $0x8000004A  }
0xb: {  	s28 =	ssub.s32 $0x2, s7;
	s7 =	smul.u32 $0x500, s7;
	s12 =	sadd.s32 s6, s5  }
0xc: {  	s11 =	sshrl.u32 s28, $0x1;
	s25 =	sadd.s32 s10, s8;
	s8 =	sshrl.u32 s26, $0x2  }
0xd: {  	s10 =	ssub.s32 s28, s11;
	s30 =	sadd.s32 s13, s7;
	s6 =	sshll.u32 s25, $0x4  }
0xe: {  	s15 =	sadd.s32 s8, s2;
	s31 =	sshll.u32 s30, $0x4;
	s8 =	smax.u32 s10, $0x1  }
0xf: {  	s10 =	sadd.s32 $0x2600, s12;
	s12 =	sadd.s32 $0x2880, s12;
	s25 =	simm.s32 $0x0  }
0x10: {  	s14 =	sadd.s32 s6, s5;
	s5 =	sadd.s32 s4, s6;
	s6 =	sor.u32 $0x1C05, s29  }
0x11: {  	s9 =	sadd.s32 s9, s31;
	s13 =	sshrl.u32 s15, $0x3;
	s15 =	simm.s32 $0x1400  }
0x12: {  	s7 =	sadd.s32 $0x57600, s14;
	s11 =	sadd.s32 $0x280, s9;
	s14 =	simm.s32 $0x5  }
.LBB2_1:
0x13: {  	[spmem:s13], [sflag:s6] =	dma.local [hbm:s5], $0x2800  }
0x14: {  	_ =	swait.ge [sflag:s14], $0x2800  }
0x15: {  	[sflag:s14] =	ssyncset.done $0x0  }
0x16: {  	[sflag:s14] =	ssyncadd.s32 $0xFFFFD800  }
0x17: {  	[bflag:$0x0] =	sbarrier.arrive $0xFFFF  }
0x18: {  	[tilespmem:s3], [sflag:$0x5] =	stream.linear.gather [hbm4b:s9+s3], $0x1400, $0x38;
	[tilespmem:$0x1E800] =	vst v63  }
0x19: {  	_ =	swait.ge [sflag:s14], $0x1400  }
0x1a: {  	[sflag:s14] =	ssyncset.done $0x0  }
0x1b: {  	[sflag:s14] =	ssyncadd.s32 $0xFFFFEC00  }
0x1c: {  	[tilespmem:s15], [sflag:$0x5] =	stream.linear.gather [hbm4b:s10+s3], $0x1400, $0x38;
	[tilespmem:$0x1E800] =	vst v63  }
0x1d: {  	_ =	swait.ge [sflag:s14], $0x1400  }
0x1e: {  	[sflag:s14] =	ssyncset.done $0x0  }
0x1f: {  	[sflag:s14] =	ssyncadd.s32 $0xFFFFEC00  }
0x20: {  	[tilespmem:s17], [sflag:$0x1] =	stream.indirect.gather [hbm4b:s4+s16], $0x80, s3, s16, $0xb8;
	[tilespmem:$0x1E800] =	vst v63  }
0x21: {  	_ = 	snop  }
0x22: {  	[tilespmem:s18], [sflag:$0x2] =	stream.indirect.gather [hbm4b:s4+s16], $0x80, s16, s16, $0xb8;
	[tilespmem:$0x1E800] =	vst v63  }
0x23: {  	_ =	swait.ge [sflag:s19], $0x4000  }
0x24: {  	[sflag:s19] =	ssyncset.done $0x0  }
0x25: {  	s26 =	simm.s32 $0x1400;
	[sflag:s19] =	ssyncadd.s32 $0xFFFFC000  }
0x26: {  	[spmem:s2] =	stream.indirect.scatter.add.f32 [tilespmem:s17], [sflag:$0x3], $0x80, s26, s16, $0xb8;
	[tilespmem:$0x1E800] =	vst v63  }
0x27: {  	_ =	swait.ge [sflag:s20], $0x4000  }
0x28: {  	[sflag:s20] =	ssyncset.done $0x0  }
0x29: {  	s30 =	simm.s32 $0x100;
	[sflag:s20] =	ssyncadd.s32 $0xFFFFC000  }
0x2a: {  	[tilespmem:s17], [sflag:$0x1] =	stream.indirect.gather [hbm4b:s4+s16], $0x80, s30, s16, $0xb8;
	[tilespmem:$0x1E800] =	vst v63  }
0x2b: {  	_ =	swait.ge [sflag:s21], $0x4000  }
0x2c: {  	[sflag:s21] =	ssyncset.done $0x0  }
0x2d: {  	s31 =	simm.s32 $0x1480;
	[sflag:s21] =	ssyncadd.s32 $0xFFFFC000  }
0x2e: {  	[spmem:s2] =	stream.indirect.scatter.add.f32 [tilespmem:s18], [sflag:$0x4], $0x80, s31, s16, $0xb8;
	[tilespmem:$0x1E800] =	vst v63  }
0x2f: {  	_ =	swait.ge [sflag:s22], $0x4000  }
0x30: {  	[sflag:s22] =	ssyncset.done $0x0  }
0x31: {  	s28 =	simm.s32 $0x180;
	s26 =	simm.s32 $0x400;
	[sflag:s22] =	ssyncadd.s32 $0xFFFFC000  }
.LBB2_2:
0x32: {  	[tilespmem:s18], [sflag:$0x2] =	stream.indirect.gather [hbm4b:s4+s16], $0x80, s28, s16, $0xb8;
	[tilespmem:$0x1E800] =	vst v63  }
0x33: {  	s28 =	smov.u32 s26  }
0x34: {  	p0 =	sne.s32 s26, $0x4800;
	s26 =	sadd.s32 $0x400, s26;
	_ =	swait.ge [sflag:s19], $0x4000  }
0x35: {  	s28 =	sshra.s32 s28, $0x2;
	[sflag:s19] =	ssyncset.done $0x0  }
0x36: {  	s29 =	sadd.s32 $0x1400, s28;
	[sflag:s19] =	ssyncadd.s32 $0xFFFFC000  }
0x37: {  	[spmem:s2] =	stream.indirect.scatter.add.f32 [tilespmem:s17], [sflag:$0x3], $0x80, s29, s16, $0xb8;
	[tilespmem:$0x1E800] =	vst v63  }
0x38: {  	_ =	swait.ge [sflag:s20], $0x4000  }
0x39: {  	[sflag:s20] =	ssyncset.done $0x0  }
0x3a: {  	s29 =	sadd.s32 $0x100, s28;
	[sflag:s20] =	ssyncadd.s32 $0xFFFFC000  }
0x3b: {  	[tilespmem:s17], [sflag:$0x1] =	stream.indirect.gather [hbm4b:s4+s16], $0x80, s29, s16, $0xb8;
	[tilespmem:$0x1E800] =	vst v63  }
0x3c: {  	_ =	swait.ge [sflag:s21], $0x4000  }
0x3d: {  	[sflag:s21] =	ssyncset.done $0x0  }
.Ltmp0:
0x3e: {  	s29 =	sadd.s32 $0x1480, s28;
	[sflag:s21] =	ssyncadd.s32 $0xFFFFC000;
	(pc) =	sbr.rel @p0 .LBB2_2-.Ltmp0, $4  }
0x3f: {  	[spmem:s2] =	stream.indirect.scatter.add.f32 [tilespmem:s18], [sflag:$0x4], $0x80, s29, s16, $0xb8;
	[tilespmem:$0x1E800] =	vst v63  }
0x40: {  	_ =	swait.ge [sflag:s22], $0x4000  }
0x41: {  	[sflag:s22] =	ssyncset.done $0x0  }
0x42: {  	s28 =	sadd.s32 $0x180, s28;
	[sflag:s22] =	ssyncadd.s32 $0xFFFFC000  }
0x43: {  	[tilespmem:s18], [sflag:$0x2] =	stream.indirect.gather [hbm4b:s4+s16], $0x80, s28, s16, $0xb8;
	[tilespmem:$0x1E800] =	vst v63  }
0x44: {  	_ =	swait.ge [sflag:s19], $0x4000  }
0x45: {  	[sflag:s19] =	ssyncset.done $0x0  }
0x46: {  	[sflag:s19] =	ssyncadd.s32 $0xFFFFC000  }
0x47: {  	[spmem:s2] =	stream.indirect.scatter.add.f32 [tilespmem:s17], [sflag:$0x3], $0x80, s23, s16, $0xb8;
	[tilespmem:$0x1E800] =	vst v63  }
0x48: {  	_ =	swait.ge [sflag:s21], $0x4000  }
0x49: {  	[sflag:s21] =	ssyncset.done $0x0  }
0x4a: {  	[sflag:s21] =	ssyncadd.s32 $0xFFFFC000  }
0x4b: {  	[spmem:s2] =	stream.indirect.scatter.add.f32 [tilespmem:s18], [sflag:$0x4], $0x80, s24, s16, $0xb8;
	[tilespmem:$0x1E800] =	vst v63  }
0x4c: {  	_ =	swait.ge [sflag:s20], $0x4000  }
0x4d: {  	[sflag:s20] =	ssyncset.done $0x0  }
0x4e: {  	[sflag:s20] =	ssyncadd.s32 $0xFFFFC000  }
0x4f: {  	_ =	swait.ge [sflag:s22], $0x4000  }
0x50: {  	[sflag:s22] =	ssyncset.done $0x0  }
0x51: {  	s26 =	simm.s32 $0x0;
	[sflag:s22] =	ssyncadd.s32 $0xFFFFC000  }
0x52: {  	[tilespmem:s26], [sflag:$0x5] =	stream.linear.gather [hbm4b:s11+s26], $0x1400, $0x38;
	[tilespmem:$0x1E800] =	vst v63  }
0x53: {  	_ =	swait.ge [sflag:s14], $0x1400  }
0x54: {  	[sflag:s14] =	ssyncset.done $0x0  }
0x55: {  	[sflag:s14] =	ssyncadd.s32 $0xFFFFEC00  }
0x56: {  	[tilespmem:s15], [sflag:$0x5] =	stream.linear.gather [hbm4b:s12+s26], $0x1400, $0x38;
	[tilespmem:$0x1E800] =	vst v63  }
0x57: {  	_ =	swait.ge [sflag:s14], $0x1400  }
0x58: {  	[sflag:s14] =	ssyncset.done $0x0  }
0x59: {  	[sflag:s14] =	ssyncadd.s32 $0xFFFFEC00  }
0x5a: {  	[tilespmem:s17], [sflag:$0x1] =	stream.indirect.gather [hbm4b:s4+s16], $0x80, s26, s16, $0xb8;
	[tilespmem:$0x1E800] =	vst v63  }
0x5b: {  	_ = 	snop  }
0x5c: {  	[tilespmem:s18], [sflag:$0x2] =	stream.indirect.gather [hbm4b:s4+s16], $0x80, s16, s16, $0xb8;
	[tilespmem:$0x1E800] =	vst v63  }
0x5d: {  	_ =	swait.ge [sflag:s19], $0x4000  }
0x5e: {  	[sflag:s19] =	ssyncset.done $0x0  }
0x5f: {  	s29 =	simm.s32 $0x1400;
	[sflag:s19] =	ssyncadd.s32 $0xFFFFC000  }
0x60: {  	[spmem:s2] =	stream.indirect.scatter.add.f32 [tilespmem:s17], [sflag:$0x3], $0x80, s29, s16, $0xb8;
	[tilespmem:$0x1E800] =	vst v63  }
0x61: {  	_ =	swait.ge [sflag:s20], $0x4000  }
0x62: {  	[sflag:s20] =	ssyncset.done $0x0  }
0x63: {  	s30 =	simm.s32 $0x100;
	[sflag:s20] =	ssyncadd.s32 $0xFFFFC000  }
0x64: {  	[tilespmem:s17], [sflag:$0x1] =	stream.indirect.gather [hbm4b:s4+s16], $0x80, s30, s16, $0xb8;
	[tilespmem:$0x1E800] =	vst v63  }
0x65: {  	_ =	swait.ge [sflag:s21], $0x4000  }
0x66: {  	[sflag:s21] =	ssyncset.done $0x0  }
0x67: {  	s31 =	simm.s32 $0x1480;
	[sflag:s21] =	ssyncadd.s32 $0xFFFFC000  }
0x68: {  	[spmem:s2] =	stream.indirect.scatter.add.f32 [tilespmem:s18], [sflag:$0x4], $0x80, s31, s16, $0xb8;
	[tilespmem:$0x1E800] =	vst v63  }
0x69: {  	_ =	swait.ge [sflag:s22], $0x4000  }
0x6a: {  	[sflag:s22] =	ssyncset.done $0x0  }
0x6b: {  	s28 =	simm.s32 $0x180;
	s26 =	simm.s32 $0x400;
	[sflag:s22] =	ssyncadd.s32 $0xFFFFC000  }
.LBB2_4:
0x6c: {  	[tilespmem:s18], [sflag:$0x2] =	stream.indirect.gather [hbm4b:s4+s16], $0x80, s28, s16, $0xb8;
	[tilespmem:$0x1E800] =	vst v63  }
0x6d: {  	s28 =	smov.u32 s26  }
0x6e: {  	p0 =	sne.s32 s26, $0x4800;
	s26 =	sadd.s32 $0x400, s26;
	_ =	swait.ge [sflag:s19], $0x4000  }
0x6f: {  	s28 =	sshra.s32 s28, $0x2;
	[sflag:s19] =	ssyncset.done $0x0  }
0x70: {  	s29 =	sadd.s32 $0x1400, s28;
	[sflag:s19] =	ssyncadd.s32 $0xFFFFC000  }
0x71: {  	[spmem:s2] =	stream.indirect.scatter.add.f32 [tilespmem:s17], [sflag:$0x3], $0x80, s29, s16, $0xb8;
	[tilespmem:$0x1E800] =	vst v63  }
0x72: {  	_ =	swait.ge [sflag:s20], $0x4000  }
0x73: {  	[sflag:s20] =	ssyncset.done $0x0  }
0x74: {  	s29 =	sadd.s32 $0x100, s28;
	[sflag:s20] =	ssyncadd.s32 $0xFFFFC000  }
0x75: {  	[tilespmem:s17], [sflag:$0x1] =	stream.indirect.gather [hbm4b:s4+s16], $0x80, s29, s16, $0xb8;
	[tilespmem:$0x1E800] =	vst v63  }
0x76: {  	_ =	swait.ge [sflag:s21], $0x4000  }
0x77: {  	[sflag:s21] =	ssyncset.done $0x0  }
.Ltmp1:
0x78: {  	s29 =	sadd.s32 $0x1480, s28;
	[sflag:s21] =	ssyncadd.s32 $0xFFFFC000;
	(pc) =	sbr.rel @p0 .LBB2_4-.Ltmp1, $4  }
0x79: {  	[spmem:s2] =	stream.indirect.scatter.add.f32 [tilespmem:s18], [sflag:$0x4], $0x80, s29, s16, $0xb8;
	[tilespmem:$0x1E800] =	vst v63  }
0x7a: {  	_ =	swait.ge [sflag:s22], $0x4000  }
0x7b: {  	[sflag:s22] =	ssyncset.done $0x0  }
0x7c: {  	s28 =	sadd.s32 $0x180, s28;
	[sflag:s22] =	ssyncadd.s32 $0xFFFFC000  }
0x7d: {  	[tilespmem:s18], [sflag:$0x2] =	stream.indirect.gather [hbm4b:s4+s16], $0x80, s28, s16, $0xb8;
	[tilespmem:$0x1E800] =	vst v63  }
0x7e: {  	_ =	swait.ge [sflag:s19], $0x4000  }
0x7f: {  	[sflag:s19] =	ssyncset.done $0x0  }
0x80: {  	[sflag:s19] =	ssyncadd.s32 $0xFFFFC000  }
0x81: {  	[spmem:s2] =	stream.indirect.scatter.add.f32 [tilespmem:s17], [sflag:$0x3], $0x80, s23, s16, $0xb8;
	[tilespmem:$0x1E800] =	vst v63  }
0x82: {  	_ =	swait.ge [sflag:s21], $0x4000  }
0x83: {  	[sflag:s21] =	ssyncset.done $0x0  }
0x84: {  	[sflag:s21] =	ssyncadd.s32 $0xFFFFC000  }
0x85: {  	[spmem:s2] =	stream.indirect.scatter.add.f32 [tilespmem:s18], [sflag:$0x4], $0x80, s24, s16, $0xb8;
	[tilespmem:$0x1E800] =	vst v63  }
0x86: {  	_ =	swait.ge [sflag:s20], $0x4000  }
0x87: {  	[sflag:s20] =	ssyncset.done $0x0  }
0x88: {  	[sflag:s20] =	ssyncadd.s32 $0xFFFFC000  }
0x89: {  	_ =	swait.ge [sflag:s22], $0x4000  }
0x8a: {  	s25 =	sadd.s32 $0x1, s25;
	[sflag:s22] =	ssyncset.done $0x0  }
0x8b: {  	p0 =	sne.s32 s25, s8;
	[sflag:s22] =	ssyncadd.s32 $0xFFFFC000  }
.Ltmp2:
0x8c: {  	[bflag:$0x0] =	sbarrier.arrive $0xFFFF;
	(pc) =	sbr.rel @p0 .LBB2_1-.Ltmp2, $4  }
0x8d: {  	[hbm:s7], [sflag:s6] =	dma.local [spmem:s13], $0x2800  }
0x8e: {  	_ =	swait.ge [sflag:s14], $0x2800  }
0x8f: {  	[sflag:s14] =	ssyncset.done $0x0  }
0x90: {  	[sflag:s14] =	ssyncadd.s32 $0xFFFFD800  }
0x91: {  	_ =	sfence.sel $0x180000  }
0x92: {  	[bflag:$0x0] =	sbarrier.arrive $0xFFFF  }
0x93: {  	p0 =	sne.s32 s0, $0x0;
	_ =	strace $0x9000004A  }
0x94: {  	s0 =	sadd.s32 @!p0 $0x100000, s1;
	[bflag:$0x2] =	sbarrier.arrive $0xFFFF  }
0x95: {  	[sflag:s0] =	ssyncadd.tile.s32 @!p0 $0x1;
	_ =	shalt  }
.Lfunc_end2:
_tile_overlayer_lowered:
.L_overlay_start_2:
0x96: {  	(tag) =	ssettag $0x2  }
0x97: {  	s0 =	rddreg [dreg:$0x0];
	s2 =	stileid.u32  }
0x98: {  	s1 =	rddreg [dreg:$0x1];
	p0 =	sne.s32 s2, $0x0  }
0x99: {  	s3 =	rddreg [dreg:$0x2];
	[bflag:$0x3] =	sbarrier.arrive $0xFFFF;
	s2 =	simm.s32 @!p0 $0x1C05  }
0x9a: {  	[timem:s3], [sflag:s2] =	dma.local @!p0 [hbm:s0], s1  }
0x9b: {  	s0 =	simm.s32 @!p0 $0x5  }
0x9c: {  	_ =	swait.ge @!p0 [sflag:s0], s1  }
0x9d: {  	s1 =	ssub.s32 @!p0 $0x0, s1;
	[sflag:s0] =	ssyncset.done @!p0 $0x0  }
0x9e: {  	[sflag:s0] =	ssyncadd.s32 @!p0 s1  }
0x9f: {  	[bflag:$0x3] =	sbarrier.arrive $0xFFFF  }
0xa0: {  	_ =	shalt  }

// kernel: kernel.14.cloned.1.call-start
scs
__scs_entry_jumppad:
0x0: {  	(pc) =	sbr.rel $0x88, $3  }
0x1: {  	(tag) =	ssettag $0x0;
	lr =	simm.s32 $0x1  }
0x2: {  	[smem:$0x3F9B] =	sst lr;
	_ =	strace $0xD0000000  }
0x3: {  	_ = 	snop  }
0x4: {  	_ = 	snop  }
0x5: {  	_ = 	snop  }
0x6: {  	_ = 	snop  }
0x7: {  	_ = 	snop  }
__scs_overlays_trampoline_lowered:
0x8: {  	[smem:$0x3FAA] =	sst s0  }
0x9: {  	[smem:$0x3FAB] =	sst s1  }
0xa: {  	[smem:$0x3FAC] =	sst s2  }
0xb: {  	[smem:$0x3FAD] =	sst s3  }
0xc: {  	[smem:$0x3FAE] =	sst s4  }
0xd: {  	[smem:$0x3FAF] =	sst s5  }
0xe: {  	[smem:$0x3FB0] =	sst s6  }
0xf: {  	[smem:$0x3FB1] =	sst s7  }
0x10: {  	[smem:$0x3FB2] =	sst s8  }
0x11: {  	[smem:$0x3FB3] =	sst s9;
	s0 =	simm.s32 @!p0 $0x0  }
0x12: {  	s1 =	sld [smem:$0x3F99];
	s0 =	simm.s32 @p0 $0x1  }
0x13: {  	[smem:$0x3FB4] =	sst s0;
	s0 =	simm.s32 @!p1 $0x0  }
0x14: {  	s2 =	sld [smem:$0x3F98];
	s0 =	simm.s32 @p1 $0x1  }
0x15: {  	[smem:$0x3FB5] =	sst s0;
	s0 =	simm.s32 @!p2 $0x0  }
0x16: {  	s3 =	sld [smem:$0x3FDB];
	s0 =	simm.s32 @p2 $0x1  }
0x17: {  	s4 =	simm.s32 $0x1BF5;
	[smem:$0x3FB7] =	sst s0  }
0x18: {  	s0 =	sld [smem:$0x3F9A];
	_ =	swait.ge [sflag:s4], $0x0  }
0x19: {  	s7 =	sld [smem:$0x3F9B]  }
0x1a: {  	s8 =	sadd.s32 $0xFFFFE003, lr  }
0x1b: {  	s9 =	sadd.s32 $0xFFFFFEF7, lr;
	s5 =	simm.s32 $0xFFFFFFFF;
	p2 =	slt.u32 s8, $0xFFFFF086  }
0x1c: {  	p1 =	slt.u32 s9, $0xF7A;
	s5 =	simm.s32 @!p2 $0x0  }
0x1d: {  	s5 =	simm.s32 @p1 $0x1;
	p0 =	seq.s32 s7, s2  }
0x1e: {  	s7 =	smul.u32 @!p0 $0xF7A, s2;
	p2 =	seq.s32 @!p0 s5, $0x0  }
0x1f: {  	s9 =	smul.u32 $0xF7A, s1;
	s8 =	simm.s32 @!p0 $0x1BF5;
	p2 =	por !p2, p0  }
0x20: {  	[sflag:s8] =	ssyncset.s32 @!p0 $0xFFFFF086;
	s6 =	sadd.s32 @!p0 s3, s7;
	s7 =	simm.s32 @!p0 $0x108  }
0x21: {  	s3 =	sadd.s32 s3, s9;
	s6 =	sadd.s32 @!p0 $0x88, s6;
	s7 =	simm.s32 @p2 $0x1082  }
0x22: {  	[simem:s7], [sflag:s8] =	dma.local @!p0 [hbm:s6], $0xF7A  }
0x23: {  	s9 =	sor.u32 $0xD0000000, s2;
	s6 =	simm.s32 $0x108;
	_ =	swait.ge @!p0 [sflag:s8], $0x0  }
0x24: {  	s3 =	sadd.s32 $0x88, s3;
	s6 =	simm.s32 @!p1 $0x1082;
	[sflag:s4] =	ssyncset.s32 $0xFFFFF086  }
0x25: {  	[simem:s6], [sflag:s4] =	dma.local [hbm:s3], $0xF7A  }
0x26: {  	[smem:$0x3F9B] =	sst s1;
	(tag) =	ssettag s2;
	_ =	strace s9  }
0x27: {  	s1 =	sld [smem:$0x3FAB]  }
0x28: {  	s2 =	sld [smem:$0x3FAC]  }
0x29: {  	s4 =	sld [smem:$0x3FAE]  }
0x2a: {  	p0 =	seq.s32 s5, $0x0;
	s5 =	sld [smem:$0x3FAF]  }
0x2b: {  	s6 =	sld [smem:$0x3FB0]  }
0x2c: {  	s7 =	sld [smem:$0x3FB1]  }
0x2d: {  	s3 =	simm.s32 $0x108;
	s8 =	sld [smem:$0x3FB2]  }
0x2e: {  	s3 =	simm.s32 @!p0 $0x1082;
	s9 =	sld [smem:$0x3FB3]  }
0x2f: {  	lr =	sadd.s32 s0, s3;
	s0 =	sld [smem:$0x3FAA]  }
0x30: {  	s3 =	sld [smem:$0x3FAD]  }
0x31: {  	[smem:$0x3FB6] =	sst s10  }
0x32: {  	s10 =	sld [smem:$0x3FB4];
	_ =	sdelay $0x3  }
0x33: {  	p0 =	seq.s32 s10, $0x1;
	s10 =	sld [smem:$0x3FB6];
	_ =	sdelay $0x3  }
0x34: {  	[smem:$0x3FB6] =	sst s10  }
0x35: {  	s10 =	sld [smem:$0x3FB5];
	_ =	sdelay $0x3  }
0x36: {  	p1 =	seq.s32 s10, $0x1;
	s10 =	sld [smem:$0x3FB6];
	_ =	sdelay $0x3  }
0x37: {  	[smem:$0x3FB6] =	sst s10  }
0x38: {  	s10 =	sld [smem:$0x3FB7]  }
0x39: {  	_ = 	snop;
	(pc) =	sbr.ind lr, $3  }
0x3a: {  	_ = 	snop  }
0x3b: {  	_ = 	snop  }
0x3c: {  	p2 =	seq.s32 s10, $0x1;
	s10 =	sld [smem:$0x3FB6]  }
0x3d: {  	_ =	shalt  }
0x3e: {  	_ =	shalt  }
0x3f: {  	_ =	shalt  }
0x40: {  	_ =	shalt  }
0x41: {  	_ =	shalt  }
0x42: {  	_ =	shalt  }
0x43: {  	_ =	shalt  }
0x44: {  	_ =	shalt  }
0x45: {  	_ =	shalt  }
0x46: {  	_ =	shalt  }
0x47: {  	_ =	shalt  }
0x48: {  	_ =	shalt  }
0x49: {  	_ =	shalt  }
0x4a: {  	_ =	shalt  }
0x4b: {  	_ =	shalt  }
0x4c: {  	_ =	shalt  }
0x4d: {  	_ =	shalt  }
0x4e: {  	_ =	shalt  }
0x4f: {  	_ =	shalt  }
0x50: {  	_ =	shalt  }
0x51: {  	_ =	shalt  }
0x52: {  	_ =	shalt  }
0x53: {  	_ =	shalt  }
0x54: {  	_ =	shalt  }
0x55: {  	_ =	shalt  }
0x56: {  	_ =	shalt  }
0x57: {  	_ =	shalt  }
0x58: {  	_ =	shalt  }
0x59: {  	_ =	shalt  }
0x5a: {  	_ =	shalt  }
0x5b: {  	_ =	shalt  }
0x5c: {  	_ =	shalt  }
0x5d: {  	_ =	shalt  }
0x5e: {  	_ =	shalt  }
0x5f: {  	_ =	shalt  }
0x60: {  	_ =	shalt  }
0x61: {  	_ =	shalt  }
0x62: {  	_ =	shalt  }
0x63: {  	_ =	shalt  }
0x64: {  	_ =	shalt  }
0x65: {  	_ =	shalt  }
0x66: {  	_ =	shalt  }
0x67: {  	_ =	shalt  }
0x68: {  	_ =	shalt  }
0x69: {  	_ =	shalt  }
0x6a: {  	_ =	shalt  }
0x6b: {  	_ =	shalt  }
0x6c: {  	_ =	shalt  }
0x6d: {  	_ =	shalt  }
0x6e: {  	_ =	shalt  }
0x6f: {  	_ =	shalt  }
0x70: {  	_ =	shalt  }
0x71: {  	_ =	shalt  }
0x72: {  	_ =	shalt  }
0x73: {  	_ =	shalt  }
0x74: {  	_ =	shalt  }
0x75: {  	_ =	shalt  }
0x76: {  	_ =	shalt  }
0x77: {  	_ =	shalt  }
0x78: {  	_ =	shalt  }
0x79: {  	_ =	shalt  }
0x7a: {  	_ =	shalt  }
0x7b: {  	_ =	shalt  }
0x7c: {  	_ =	shalt  }
0x7d: {  	_ =	shalt  }
0x7e: {  	_ =	shalt  }
0x7f: {  	_ =	shalt  }
0x80: {  	_ =	shalt  }
0x81: {  	_ =	shalt  }
0x82: {  	_ =	shalt  }
0x83: {  	_ =	shalt  }
0x84: {  	_ =	shalt  }
0x85: {  	_ =	shalt  }
0x86: {  	_ =	shalt  }
0x87: {  	_ =	shalt  }
.Lfunc_end0:
.L_simem_size_0:
called_computation.2_lowered:
.L_overlay_start_0:
0x88: {  	s2 =	sld [smem:$0x3FD9]  }
0x89: {  	s3 =	sld [smem:$0x3FFE];
	_ =	sdelay $0x1  }
0x8a: {  	s1 =	srdreg.scid  }
0x8b: {  	s0 =	sand.u32 $0x1, s1  }
0x8c: {  	s17 =	sshll.u32 s0, $0xA;
	s2 =	sadd.s32 s3, s2  }
0x8d: {  	s2 =	sadd.s32 s2, s17  }
0x8e: {  	[smem:$0x3FC2] =	sst s2  }
0x8f: {  	_ = 	snop  }
0x90: {  	s2 =	sld [smem:$0x3FD0];
	(tm) =	ssettm $0x1  }
0x91: {  	s18 =	sld [smem:$0x3FFB];
	_ =	sdelay $0x3  }
0x92: {  	_ =	strace s18  }
0x93: {  	s3 =	sld [smem:$0x3FFC];
	_ =	sdelay $0x3  }
0x94: {  	_ =	strace s3  }
0x95: {  	s3 =	sld [smem:$0x3FFD];
	_ =	sdelay $0x3  }
0x96: {  	_ =	strace s3  }
0x97: {  	_ =	strace $0x8FFFFFFF  }
0x98: {  	s19 =	sld [smem:$0x3FDB];
	_ =	sdelay $0x1  }
0x99: {  	s4 =	simm.s32 $_scs_section_size  }
0x9a: {  	s5 =	simm.s32 $_size__tile_overlayer_lowered;
	s6 =	simm.s32 $_tile_overlayer_lowered  }
0x9b: {  	s22 =	simm.s32 $0x1BFF;
	s21 =	sshll.u32 s6, $0x1;
	s3 =	sadd.s32 s4, s19  }
0x9c: {  	s7 =	simm.s32 $0x0;
	s20 =	sshll.u32 s5, $0x1;
	s5 =	sadd.s32 s21, s3  }
0x9d: {  	[timem:s7], [sflag:s22] =	dma.local [hbm:s5], s20  }
0x9e: {  	_ =	swait.ge [sflag:s22], s20  }
0x9f: {  	s4 =	ssub.s32 $0x0, s20;
	[sflag:s22] =	ssyncset.done $0x0  }
0xa0: {  	[sflag:s22] =	ssyncadd.s32 s4;
	_ =	sdelay $0x1  }
0xa1: {  	s23 =	simm.s32 $0x1B8B  }
0xa2: {  	_ =	swait.ge [sflag:s23], $0x1  }
0xa3: {  	[sflag:s23] =	ssyncset.done $0x0  }
0xa4: {  	s25 =	simm.s32 $0x1B8E;
	s24 =	sld [smem:$0x3FFE];
	[sflag:s23] =	ssyncadd.s32 $0xFFFFFFFF  }
0xa5: {  	s26 =	simm.s32 $execute0_lowered;
	[smem:$0x3FD2] =	sst s25  }
0xa6: {  	s5 =	sshll.u32 s26, $0x1;
	_ =	strace $0x8000004C;
	[dreg:$0x1] =	wrdreg $0xFFFFFFFF  }
0xa7: {  	s28 =	simm.s32 $_size_execute0_lowered;
	s3 =	sadd.s32 s3, s5;
	[dreg:$0x0] =	wrdreg $0x0  }
0xa8: {  	s5 =	sshll.u32 s28, $0x1;
	[dreg:$0x2] =	wrdreg s3  }
0xa9: {  	[dreg:$0x3] =	wrdreg s5  }
0xaa: {  	[dreg:$0x4] =	wrdreg $0xC0  }
0xab: {  	_ =	task [dreg:s7], $0x5FFFF  }
0xac: {  	[dreg:$0x1] =	wrdreg $0xFFFFFFFF  }
0xad: {  	[dreg:$0x0] =	wrdreg $0x60  }
0xae: {  	[dreg:$0x2] =	wrdreg s24  }
0xaf: {  	[dreg:$0x3] =	wrdreg s2  }
0xb0: {  	[dreg:$0x4] =	wrdreg $0x28000  }
0xb1: {  	[dreg:$0x5] =	wrdreg $0x9  }
0xb2: {  	_ =	task.clear_ibuf [dreg:s7], $0x6FFFF;
	_ =	strace $0x9000004C  }
0xb3: {  	s29 =	simm.s32 $0x9;
	_ =	strace $0x8000004E  }
0xb4: {  	_ =	swait.ge [sflag:s29], $0x1  }
0xb5: {  	[sflag:s29] =	ssyncadd.s32 $0xFFFFFFFF  }
0xb6: {  	_ =	strace $0x9000004E  }
0xb7: {  	_ =	sfence  }
0xb8: {  	s30 =	sld [smem:$0x0];
	_ =	sdelay $0x2  }
0xb9: {  	s31 =	sshll.u32 s1, $0xD;
	s1 =	sshrl.u32 s1, $0x2  }
0xba: {  	s3 =	sand.u32 $0x4000, s31;
	s1 =	sadd.s32 s1, s30  }
0xbb: {  	s0 =	sor.u32 s3, s0;
	s1 =	sshll.u32 s1, $0x11  }
0xbc: {  	s0 =	sor.u32 s1, s0  }
0xbd: {  	s0 =	sadd.s32 $0x8F2B, s0  }
0xbe: {  	[sflag:s0] =	ssyncadd.remote.s32 $0x1  }
0xbf: {  	_ =	sfence.sel $0xFFFF  }
0xc0: {  	[dreg:$0x0] =	wrdreg $0xFFFFFFFF;
	(pc) =	sbr.abs _section_cstart, $3  }
0xc1: {  	[dreg:$0x1] =	wrdreg $0xFFFFFFFF  }
0xc2: {  	_ =	task.clear_ibuf [dreg:s7], $0x2FFFF;
	_ =	strace $0x9FFFFFFF  }
0xc3: {  	(tm) =	ssettm $0x7FFFFFFF  }
tec
execute0_lowered:
.L_overlay_start_1:
0x0: {  	(tag) =	ssettag $0x1  }
0x1: {  	s5 =	rddreg [dreg:$0x0]  }
0x2: {  	s9 =	rddreg [dreg:$0x1];
	s0 =	stileid.u32  }
0x3: {  	s1 =	srdreg.scid;
	s2 =	rddreg [dreg:$0x2]  }
0x4: {  	s3 =	simm.s32 $0x0;
	s16 =	simm.s32 $0x80;
	s17 =	simm.s32 $0x16800  }
0x5: {  	s18 =	simm.s32 $0x1A800;
	s19 =	simm.s32 $0x1;
	s20 =	simm.s32 $0x3  }
0x6: {  	s21 =	simm.s32 $0x2;
	s22 =	simm.s32 $0x4;
	s6 =	smul.u32 $0x500, s0  }
0x7: {  	s23 =	simm.s32 $0x2700;
	s24 =	simm.s32 $0x2780;
	s10 =	smul.u32 $0x280, s0  }
0x8: {  	s7 =	sand.u32 $0x1, s1;
	s1 =	rddreg [dreg:$0x3];
	s26 =	smul.u32 $0x50000, s0  }
0x9: {  	[smem:$0x7FF] =	sst s3;
	s4 =	sadd.s32 $0x7600, s5;
	s13 =	smul.u32 $0x50, s0  }
0xa: {  	s29 =	sshll.u32 s0, $0x6;
	s8 =	smul.u32 $0x2800, s7;
	_ =	strace $0x8000004D  }
0xb: {  	s28 =	ssub.s32 $0x2, s7;
	s7 =	smul.u32 $0x500, s7;
	s12 =	sadd.s32 s6, s5  }
0xc: {  	s11 =	sshrl.u32 s28, $0x1;
	s25 =	sadd.s32 s10, s8;
	s8 =	sshrl.u32 s26, $0x2  }
0xd: {  	s10 =	ssub.s32 s28, s11;
	s30 =	sadd.s32 s13, s7;
	s6 =	sshll.u32 s25, $0x4  }
0xe: {  	s15 =	sadd.s32 s8, s2;
	s31 =	sshll.u32 s30, $0x4;
	s8 =	smax.u32 s10, $0x1  }
0xf: {  	s10 =	sadd.s32 $0x2600, s12;
	s12 =	sadd.s32 $0x2880, s12;
	s25 =	simm.s32 $0x0  }
0x10: {  	s14 =	sadd.s32 s6, s5;
	s6 =	sor.u32 $0x1C05, s29;
	s9 =	sadd.s32 s9, s31  }
0x11: {  	s13 =	sshrl.u32 s15, $0x3;
	s15 =	simm.s32 $0x1400;
	s5 =	sadd.s32 $0x57600, s14  }
0x12: {  	s7 =	sadd.s32 $0xA7600, s14;
	s11 =	sadd.s32 $0x280, s9;
	s14 =	simm.s32 $0x5  }
.LBB2_1:
0x13: {  	[spmem:s13], [sflag:s6] =	dma.local [hbm:s5], $0x2800  }
0x14: {  	_ =	swait.ge [sflag:s14], $0x2800  }
0x15: {  	[sflag:s14] =	ssyncset.done $0x0  }
0x16: {  	[sflag:s14] =	ssyncadd.s32 $0xFFFFD800  }
0x17: {  	[bflag:$0x0] =	sbarrier.arrive $0xFFFF  }
0x18: {  	[tilespmem:s3], [sflag:$0x5] =	stream.linear.gather [hbm4b:s9+s3], $0x1400, $0x38;
	[tilespmem:$0x1E800] =	vst v63  }
0x19: {  	_ =	swait.ge [sflag:s14], $0x1400  }
0x1a: {  	[sflag:s14] =	ssyncset.done $0x0  }
0x1b: {  	[sflag:s14] =	ssyncadd.s32 $0xFFFFEC00  }
0x1c: {  	[tilespmem:s15], [sflag:$0x5] =	stream.linear.gather [hbm4b:s10+s3], $0x1400, $0x38;
	[tilespmem:$0x1E800] =	vst v63  }
0x1d: {  	_ =	swait.ge [sflag:s14], $0x1400  }
0x1e: {  	[sflag:s14] =	ssyncset.done $0x0  }
0x1f: {  	[sflag:s14] =	ssyncadd.s32 $0xFFFFEC00  }
0x20: {  	[tilespmem:s17], [sflag:$0x1] =	stream.indirect.gather [hbm4b:s4+s16], $0x80, s3, s16, $0xb8;
	[tilespmem:$0x1E800] =	vst v63  }
0x21: {  	_ = 	snop  }
0x22: {  	[tilespmem:s18], [sflag:$0x2] =	stream.indirect.gather [hbm4b:s4+s16], $0x80, s16, s16, $0xb8;
	[tilespmem:$0x1E800] =	vst v63  }
0x23: {  	_ =	swait.ge [sflag:s19], $0x4000  }
0x24: {  	[sflag:s19] =	ssyncset.done $0x0  }
0x25: {  	s26 =	simm.s32 $0x1400;
	[sflag:s19] =	ssyncadd.s32 $0xFFFFC000  }
0x26: {  	[spmem:s2] =	stream.indirect.scatter.add.f32 [tilespmem:s17], [sflag:$0x3], $0x80, s26, s16, $0xb8;
	[tilespmem:$0x1E800] =	vst v63  }
0x27: {  	_ =	swait.ge [sflag:s20], $0x4000  }
0x28: {  	[sflag:s20] =	ssyncset.done $0x0  }
0x29: {  	s30 =	simm.s32 $0x100;
	[sflag:s20] =	ssyncadd.s32 $0xFFFFC000  }
0x2a: {  	[tilespmem:s17], [sflag:$0x1] =	stream.indirect.gather [hbm4b:s4+s16], $0x80, s30, s16, $0xb8;
	[tilespmem:$0x1E800] =	vst v63  }
0x2b: {  	_ =	swait.ge [sflag:s21], $0x4000  }
0x2c: {  	[sflag:s21] =	ssyncset.done $0x0  }
0x2d: {  	s31 =	simm.s32 $0x1480;
	[sflag:s21] =	ssyncadd.s32 $0xFFFFC000  }
0x2e: {  	[spmem:s2] =	stream.indirect.scatter.add.f32 [tilespmem:s18], [sflag:$0x4], $0x80, s31, s16, $0xb8;
	[tilespmem:$0x1E800] =	vst v63  }
0x2f: {  	_ =	swait.ge [sflag:s22], $0x4000  }
0x30: {  	[sflag:s22] =	ssyncset.done $0x0  }
0x31: {  	s28 =	simm.s32 $0x180;
	s26 =	simm.s32 $0x400;
	[sflag:s22] =	ssyncadd.s32 $0xFFFFC000  }
.LBB2_2:
0x32: {  	[tilespmem:s18], [sflag:$0x2] =	stream.indirect.gather [hbm4b:s4+s16], $0x80, s28, s16, $0xb8;
	[tilespmem:$0x1E800] =	vst v63  }
0x33: {  	s28 =	smov.u32 s26  }
0x34: {  	p0 =	sne.s32 s26, $0x4800;
	s26 =	sadd.s32 $0x400, s26;
	_ =	swait.ge [sflag:s19], $0x4000  }
0x35: {  	s28 =	sshra.s32 s28, $0x2;
	[sflag:s19] =	ssyncset.done $0x0  }
0x36: {  	s29 =	sadd.s32 $0x1400, s28;
	[sflag:s19] =	ssyncadd.s32 $0xFFFFC000  }
0x37: {  	[spmem:s2] =	stream.indirect.scatter.add.f32 [tilespmem:s17], [sflag:$0x3], $0x80, s29, s16, $0xb8;
	[tilespmem:$0x1E800] =	vst v63  }
0x38: {  	_ =	swait.ge [sflag:s20], $0x4000  }
0x39: {  	[sflag:s20] =	ssyncset.done $0x0  }
0x3a: {  	s29 =	sadd.s32 $0x100, s28;
	[sflag:s20] =	ssyncadd.s32 $0xFFFFC000  }
0x3b: {  	[tilespmem:s17], [sflag:$0x1] =	stream.indirect.gather [hbm4b:s4+s16], $0x80, s29, s16, $0xb8;
	[tilespmem:$0x1E800] =	vst v63  }
0x3c: {  	_ =	swait.ge [sflag:s21], $0x4000  }
0x3d: {  	[sflag:s21] =	ssyncset.done $0x0  }
.Ltmp0:
0x3e: {  	s29 =	sadd.s32 $0x1480, s28;
	[sflag:s21] =	ssyncadd.s32 $0xFFFFC000;
	(pc) =	sbr.rel @p0 .LBB2_2-.Ltmp0, $4  }
0x3f: {  	[spmem:s2] =	stream.indirect.scatter.add.f32 [tilespmem:s18], [sflag:$0x4], $0x80, s29, s16, $0xb8;
	[tilespmem:$0x1E800] =	vst v63  }
0x40: {  	_ =	swait.ge [sflag:s22], $0x4000  }
0x41: {  	[sflag:s22] =	ssyncset.done $0x0  }
0x42: {  	s28 =	sadd.s32 $0x180, s28;
	[sflag:s22] =	ssyncadd.s32 $0xFFFFC000  }
0x43: {  	[tilespmem:s18], [sflag:$0x2] =	stream.indirect.gather [hbm4b:s4+s16], $0x80, s28, s16, $0xb8;
	[tilespmem:$0x1E800] =	vst v63  }
0x44: {  	_ =	swait.ge [sflag:s19], $0x4000  }
0x45: {  	[sflag:s19] =	ssyncset.done $0x0  }
0x46: {  	[sflag:s19] =	ssyncadd.s32 $0xFFFFC000  }
0x47: {  	[spmem:s2] =	stream.indirect.scatter.add.f32 [tilespmem:s17], [sflag:$0x3], $0x80, s23, s16, $0xb8;
	[tilespmem:$0x1E800] =	vst v63  }
0x48: {  	_ =	swait.ge [sflag:s21], $0x4000  }
0x49: {  	[sflag:s21] =	ssyncset.done $0x0  }
0x4a: {  	[sflag:s21] =	ssyncadd.s32 $0xFFFFC000  }
0x4b: {  	[spmem:s2] =	stream.indirect.scatter.add.f32 [tilespmem:s18], [sflag:$0x4], $0x80, s24, s16, $0xb8;
	[tilespmem:$0x1E800] =	vst v63  }
0x4c: {  	_ =	swait.ge [sflag:s20], $0x4000  }
0x4d: {  	[sflag:s20] =	ssyncset.done $0x0  }
0x4e: {  	[sflag:s20] =	ssyncadd.s32 $0xFFFFC000  }
0x4f: {  	_ =	swait.ge [sflag:s22], $0x4000  }
0x50: {  	[sflag:s22] =	ssyncset.done $0x0  }
0x51: {  	s26 =	simm.s32 $0x0;
	[sflag:s22] =	ssyncadd.s32 $0xFFFFC000  }
0x52: {  	[tilespmem:s26], [sflag:$0x5] =	stream.linear.gather [hbm4b:s11+s26], $0x1400, $0x38;
	[tilespmem:$0x1E800] =	vst v63  }
0x53: {  	_ =	swait.ge [sflag:s14], $0x1400  }
0x54: {  	[sflag:s14] =	ssyncset.done $0x0  }
0x55: {  	[sflag:s14] =	ssyncadd.s32 $0xFFFFEC00  }
0x56: {  	[tilespmem:s15], [sflag:$0x5] =	stream.linear.gather [hbm4b:s12+s26], $0x1400, $0x38;
	[tilespmem:$0x1E800] =	vst v63  }
0x57: {  	_ =	swait.ge [sflag:s14], $0x1400  }
0x58: {  	[sflag:s14] =	ssyncset.done $0x0  }
0x59: {  	[sflag:s14] =	ssyncadd.s32 $0xFFFFEC00  }
0x5a: {  	[tilespmem:s17], [sflag:$0x1] =	stream.indirect.gather [hbm4b:s4+s16], $0x80, s26, s16, $0xb8;
	[tilespmem:$0x1E800] =	vst v63  }
0x5b: {  	_ = 	snop  }
0x5c: {  	[tilespmem:s18], [sflag:$0x2] =	stream.indirect.gather [hbm4b:s4+s16], $0x80, s16, s16, $0xb8;
	[tilespmem:$0x1E800] =	vst v63  }
0x5d: {  	_ =	swait.ge [sflag:s19], $0x4000  }
0x5e: {  	[sflag:s19] =	ssyncset.done $0x0  }
0x5f: {  	s29 =	simm.s32 $0x1400;
	[sflag:s19] =	ssyncadd.s32 $0xFFFFC000  }
0x60: {  	[spmem:s2] =	stream.indirect.scatter.add.f32 [tilespmem:s17], [sflag:$0x3], $0x80, s29, s16, $0xb8;
	[tilespmem:$0x1E800] =	vst v63  }
0x61: {  	_ =	swait.ge [sflag:s20], $0x4000  }
0x62: {  	[sflag:s20] =	ssyncset.done $0x0  }
0x63: {  	s30 =	simm.s32 $0x100;
	[sflag:s20] =	ssyncadd.s32 $0xFFFFC000  }
0x64: {  	[tilespmem:s17], [sflag:$0x1] =	stream.indirect.gather [hbm4b:s4+s16], $0x80, s30, s16, $0xb8;
	[tilespmem:$0x1E800] =	vst v63  }
0x65: {  	_ =	swait.ge [sflag:s21], $0x4000  }
0x66: {  	[sflag:s21] =	ssyncset.done $0x0  }
0x67: {  	s31 =	simm.s32 $0x1480;
	[sflag:s21] =	ssyncadd.s32 $0xFFFFC000  }
0x68: {  	[spmem:s2] =	stream.indirect.scatter.add.f32 [tilespmem:s18], [sflag:$0x4], $0x80, s31, s16, $0xb8;
	[tilespmem:$0x1E800] =	vst v63  }
0x69: {  	_ =	swait.ge [sflag:s22], $0x4000  }
0x6a: {  	[sflag:s22] =	ssyncset.done $0x0  }
0x6b: {  	s28 =	simm.s32 $0x180;
	s26 =	simm.s32 $0x400;
	[sflag:s22] =	ssyncadd.s32 $0xFFFFC000  }
.LBB2_4:
0x6c: {  	[tilespmem:s18], [sflag:$0x2] =	stream.indirect.gather [hbm4b:s4+s16], $0x80, s28, s16, $0xb8;
	[tilespmem:$0x1E800] =	vst v63  }
0x6d: {  	s28 =	smov.u32 s26  }
0x6e: {  	p0 =	sne.s32 s26, $0x4800;
	s26 =	sadd.s32 $0x400, s26;
	_ =	swait.ge [sflag:s19], $0x4000  }
0x6f: {  	s28 =	sshra.s32 s28, $0x2;
	[sflag:s19] =	ssyncset.done $0x0  }
0x70: {  	s29 =	sadd.s32 $0x1400, s28;
	[sflag:s19] =	ssyncadd.s32 $0xFFFFC000  }
0x71: {  	[spmem:s2] =	stream.indirect.scatter.add.f32 [tilespmem:s17], [sflag:$0x3], $0x80, s29, s16, $0xb8;
	[tilespmem:$0x1E800] =	vst v63  }
0x72: {  	_ =	swait.ge [sflag:s20], $0x4000  }
0x73: {  	[sflag:s20] =	ssyncset.done $0x0  }
0x74: {  	s29 =	sadd.s32 $0x100, s28;
	[sflag:s20] =	ssyncadd.s32 $0xFFFFC000  }
0x75: {  	[tilespmem:s17], [sflag:$0x1] =	stream.indirect.gather [hbm4b:s4+s16], $0x80, s29, s16, $0xb8;
	[tilespmem:$0x1E800] =	vst v63  }
0x76: {  	_ =	swait.ge [sflag:s21], $0x4000  }
0x77: {  	[sflag:s21] =	ssyncset.done $0x0  }
.Ltmp1:
0x78: {  	s29 =	sadd.s32 $0x1480, s28;
	[sflag:s21] =	ssyncadd.s32 $0xFFFFC000;
	(pc) =	sbr.rel @p0 .LBB2_4-.Ltmp1, $4  }
0x79: {  	[spmem:s2] =	stream.indirect.scatter.add.f32 [tilespmem:s18], [sflag:$0x4], $0x80, s29, s16, $0xb8;
	[tilespmem:$0x1E800] =	vst v63  }
0x7a: {  	_ =	swait.ge [sflag:s22], $0x4000  }
0x7b: {  	[sflag:s22] =	ssyncset.done $0x0  }
0x7c: {  	s28 =	sadd.s32 $0x180, s28;
	[sflag:s22] =	ssyncadd.s32 $0xFFFFC000  }
0x7d: {  	[tilespmem:s18], [sflag:$0x2] =	stream.indirect.gather [hbm4b:s4+s16], $0x80, s28, s16, $0xb8;
	[tilespmem:$0x1E800] =	vst v63  }
0x7e: {  	_ =	swait.ge [sflag:s19], $0x4000  }
0x7f: {  	[sflag:s19] =	ssyncset.done $0x0  }
0x80: {  	[sflag:s19] =	ssyncadd.s32 $0xFFFFC000  }
0x81: {  	[spmem:s2] =	stream.indirect.scatter.add.f32 [tilespmem:s17], [sflag:$0x3], $0x80, s23, s16, $0xb8;
	[tilespmem:$0x1E800] =	vst v63  }
0x82: {  	_ =	swait.ge [sflag:s21], $0x4000  }
0x83: {  	[sflag:s21] =	ssyncset.done $0x0  }
0x84: {  	[sflag:s21] =	ssyncadd.s32 $0xFFFFC000  }
0x85: {  	[spmem:s2] =	stream.indirect.scatter.add.f32 [tilespmem:s18], [sflag:$0x4], $0x80, s24, s16, $0xb8;
	[tilespmem:$0x1E800] =	vst v63  }
0x86: {  	_ =	swait.ge [sflag:s20], $0x4000  }
0x87: {  	[sflag:s20] =	ssyncset.done $0x0  }
0x88: {  	[sflag:s20] =	ssyncadd.s32 $0xFFFFC000  }
0x89: {  	_ =	swait.ge [sflag:s22], $0x4000  }
0x8a: {  	s25 =	sadd.s32 $0x1, s25;
	[sflag:s22] =	ssyncset.done $0x0  }
0x8b: {  	p0 =	sne.s32 s25, s8;
	[sflag:s22] =	ssyncadd.s32 $0xFFFFC000  }
.Ltmp2:
0x8c: {  	[bflag:$0x0] =	sbarrier.arrive $0xFFFF;
	(pc) =	sbr.rel @p0 .LBB2_1-.Ltmp2, $4  }
0x8d: {  	[hbm:s7], [sflag:s6] =	dma.local [spmem:s13], $0x2800  }
0x8e: {  	_ =	swait.ge [sflag:s14], $0x2800  }
0x8f: {  	[sflag:s14] =	ssyncset.done $0x0  }
0x90: {  	[sflag:s14] =	ssyncadd.s32 $0xFFFFD800  }
0x91: {  	_ =	sfence.sel $0x180000  }
0x92: {  	[bflag:$0x0] =	sbarrier.arrive $0xFFFF  }
0x93: {  	p0 =	sne.s32 s0, $0x0;
	_ =	strace $0x9000004D  }
0x94: {  	s0 =	sadd.s32 @!p0 $0x100000, s1;
	[bflag:$0x2] =	sbarrier.arrive $0xFFFF  }
0x95: {  	[sflag:s0] =	ssyncadd.tile.s32 @!p0 $0x1;
	_ =	shalt  }
.Lfunc_end2:
_tile_overlayer_lowered:
.L_overlay_start_2:
0x96: {  	(tag) =	ssettag $0x2  }
0x97: {  	s0 =	rddreg [dreg:$0x0];
	s2 =	stileid.u32  }
0x98: {  	s1 =	rddreg [dreg:$0x1];
	p0 =	sne.s32 s2, $0x0  }
0x99: {  	s3 =	rddreg [dreg:$0x2];
	[bflag:$0x3] =	sbarrier.arrive $0xFFFF;
	s2 =	simm.s32 @!p0 $0x1C05  }
0x9a: {  	[timem:s3], [sflag:s2] =	dma.local @!p0 [hbm:s0], s1  }
0x9b: {  	s0 =	simm.s32 @!p0 $0x5  }
0x9c: {  	_ =	swait.ge @!p0 [sflag:s0], s1  }
0x9d: {  	s1 =	ssub.s32 @!p0 $0x0, s1;
	[sflag:s0] =	ssyncset.done @!p0 $0x0  }
0x9e: {  	[sflag:s0] =	ssyncadd.s32 @!p0 s1  }
0x9f: {  	[bflag:$0x3] =	sbarrier.arrive $0xFFFF  }
0xa0: {  	_ =	shalt  }

// kernel: kernel.8.cloned.1.call-start
scs
__scs_entry_jumppad:
0x0: {  	(pc) =	sbr.rel $0x88, $3  }
0x1: {  	(tag) =	ssettag $0x0;
	lr =	simm.s32 $0x1  }
0x2: {  	[smem:$0x3F9B] =	sst lr;
	_ =	strace $0xD0000000  }
0x3: {  	_ = 	snop  }
0x4: {  	_ = 	snop  }
0x5: {  	_ = 	snop  }
0x6: {  	_ = 	snop  }
0x7: {  	_ = 	snop  }
__scs_overlays_trampoline_lowered:
0x8: {  	[smem:$0x3FAA] =	sst s0  }
0x9: {  	[smem:$0x3FAB] =	sst s1  }
0xa: {  	[smem:$0x3FAC] =	sst s2  }
0xb: {  	[smem:$0x3FAD] =	sst s3  }
0xc: {  	[smem:$0x3FAE] =	sst s4  }
0xd: {  	[smem:$0x3FAF] =	sst s5  }
0xe: {  	[smem:$0x3FB0] =	sst s6  }
0xf: {  	[smem:$0x3FB1] =	sst s7  }
0x10: {  	[smem:$0x3FB2] =	sst s8  }
0x11: {  	[smem:$0x3FB3] =	sst s9;
	s0 =	simm.s32 @!p0 $0x0  }
0x12: {  	s1 =	sld [smem:$0x3F99];
	s0 =	simm.s32 @p0 $0x1  }
0x13: {  	[smem:$0x3FB4] =	sst s0;
	s0 =	simm.s32 @!p1 $0x0  }
0x14: {  	s2 =	sld [smem:$0x3F98];
	s0 =	simm.s32 @p1 $0x1  }
0x15: {  	[smem:$0x3FB5] =	sst s0;
	s0 =	simm.s32 @!p2 $0x0  }
0x16: {  	s3 =	sld [smem:$0x3FDB];
	s0 =	simm.s32 @p2 $0x1  }
0x17: {  	s4 =	simm.s32 $0x1BF5;
	[smem:$0x3FB7] =	sst s0  }
0x18: {  	s0 =	sld [smem:$0x3F9A];
	_ =	swait.ge [sflag:s4], $0x0  }
0x19: {  	s7 =	sld [smem:$0x3F9B]  }
0x1a: {  	s8 =	sadd.s32 $0xFFFFE003, lr  }
0x1b: {  	s9 =	sadd.s32 $0xFFFFFEF7, lr;
	s5 =	simm.s32 $0xFFFFFFFF;
	p2 =	slt.u32 s8, $0xFFFFF086  }
0x1c: {  	p1 =	slt.u32 s9, $0xF7A;
	s5 =	simm.s32 @!p2 $0x0  }
0x1d: {  	s5 =	simm.s32 @p1 $0x1;
	p0 =	seq.s32 s7, s2  }
0x1e: {  	s7 =	smul.u32 @!p0 $0xF7A, s2;
	p2 =	seq.s32 @!p0 s5, $0x0  }
0x1f: {  	s9 =	smul.u32 $0xF7A, s1;
	s8 =	simm.s32 @!p0 $0x1BF5;
	p2 =	por !p2, p0  }
0x20: {  	[sflag:s8] =	ssyncset.s32 @!p0 $0xFFFFF086;
	s6 =	sadd.s32 @!p0 s3, s7;
	s7 =	simm.s32 @!p0 $0x108  }
0x21: {  	s3 =	sadd.s32 s3, s9;
	s6 =	sadd.s32 @!p0 $0x88, s6;
	s7 =	simm.s32 @p2 $0x1082  }
0x22: {  	[simem:s7], [sflag:s8] =	dma.local @!p0 [hbm:s6], $0xF7A  }
0x23: {  	s9 =	sor.u32 $0xD0000000, s2;
	s6 =	simm.s32 $0x108;
	_ =	swait.ge @!p0 [sflag:s8], $0x0  }
0x24: {  	s3 =	sadd.s32 $0x88, s3;
	s6 =	simm.s32 @!p1 $0x1082;
	[sflag:s4] =	ssyncset.s32 $0xFFFFF086  }
0x25: {  	[simem:s6], [sflag:s4] =	dma.local [hbm:s3], $0xF7A  }
0x26: {  	[smem:$0x3F9B] =	sst s1;
	(tag) =	ssettag s2;
	_ =	strace s9  }
0x27: {  	s1 =	sld [smem:$0x3FAB]  }
0x28: {  	s2 =	sld [smem:$0x3FAC]  }
0x29: {  	s4 =	sld [smem:$0x3FAE]  }
0x2a: {  	p0 =	seq.s32 s5, $0x0;
	s5 =	sld [smem:$0x3FAF]  }
0x2b: {  	s6 =	sld [smem:$0x3FB0]  }
0x2c: {  	s7 =	sld [smem:$0x3FB1]  }
0x2d: {  	s3 =	simm.s32 $0x108;
	s8 =	sld [smem:$0x3FB2]  }
0x2e: {  	s3 =	simm.s32 @!p0 $0x1082;
	s9 =	sld [smem:$0x3FB3]  }
0x2f: {  	lr =	sadd.s32 s0, s3;
	s0 =	sld [smem:$0x3FAA]  }
0x30: {  	s3 =	sld [smem:$0x3FAD]  }
0x31: {  	[smem:$0x3FB6] =	sst s10  }
0x32: {  	s10 =	sld [smem:$0x3FB4];
	_ =	sdelay $0x3  }
0x33: {  	p0 =	seq.s32 s10, $0x1;
	s10 =	sld [smem:$0x3FB6];
	_ =	sdelay $0x3  }
0x34: {  	[smem:$0x3FB6] =	sst s10  }
0x35: {  	s10 =	sld [smem:$0x3FB5];
	_ =	sdelay $0x3  }
0x36: {  	p1 =	seq.s32 s10, $0x1;
	s10 =	sld [smem:$0x3FB6];
	_ =	sdelay $0x3  }
0x37: {  	[smem:$0x3FB6] =	sst s10  }
0x38: {  	s10 =	sld [smem:$0x3FB7]  }
0x39: {  	_ = 	snop;
	(pc) =	sbr.ind lr, $3  }
0x3a: {  	_ = 	snop  }
0x3b: {  	_ = 	snop  }
0x3c: {  	p2 =	seq.s32 s10, $0x1;
	s10 =	sld [smem:$0x3FB6]  }
0x3d: {  	_ =	shalt  }
0x3e: {  	_ =	shalt  }
0x3f: {  	_ =	shalt  }
0x40: {  	_ =	shalt  }
0x41: {  	_ =	shalt  }
0x42: {  	_ =	shalt  }
0x43: {  	_ =	shalt  }
0x44: {  	_ =	shalt  }
0x45: {  	_ =	shalt  }
0x46: {  	_ =	shalt  }
0x47: {  	_ =	shalt  }
0x48: {  	_ =	shalt  }
0x49: {  	_ =	shalt  }
0x4a: {  	_ =	shalt  }
0x4b: {  	_ =	shalt  }
0x4c: {  	_ =	shalt  }
0x4d: {  	_ =	shalt  }
0x4e: {  	_ =	shalt  }
0x4f: {  	_ =	shalt  }
0x50: {  	_ =	shalt  }
0x51: {  	_ =	shalt  }
0x52: {  	_ =	shalt  }
0x53: {  	_ =	shalt  }
0x54: {  	_ =	shalt  }
0x55: {  	_ =	shalt  }
0x56: {  	_ =	shalt  }
0x57: {  	_ =	shalt  }
0x58: {  	_ =	shalt  }
0x59: {  	_ =	shalt  }
0x5a: {  	_ =	shalt  }
0x5b: {  	_ =	shalt  }
0x5c: {  	_ =	shalt  }
0x5d: {  	_ =	shalt  }
0x5e: {  	_ =	shalt  }
0x5f: {  	_ =	shalt  }
0x60: {  	_ =	shalt  }
0x61: {  	_ =	shalt  }
0x62: {  	_ =	shalt  }
0x63: {  	_ =	shalt  }
0x64: {  	_ =	shalt  }
0x65: {  	_ =	shalt  }
0x66: {  	_ =	shalt  }
0x67: {  	_ =	shalt  }
0x68: {  	_ =	shalt  }
0x69: {  	_ =	shalt  }
0x6a: {  	_ =	shalt  }
0x6b: {  	_ =	shalt  }
0x6c: {  	_ =	shalt  }
0x6d: {  	_ =	shalt  }
0x6e: {  	_ =	shalt  }
0x6f: {  	_ =	shalt  }
0x70: {  	_ =	shalt  }
0x71: {  	_ =	shalt  }
0x72: {  	_ =	shalt  }
0x73: {  	_ =	shalt  }
0x74: {  	_ =	shalt  }
0x75: {  	_ =	shalt  }
0x76: {  	_ =	shalt  }
0x77: {  	_ =	shalt  }
0x78: {  	_ =	shalt  }
0x79: {  	_ =	shalt  }
0x7a: {  	_ =	shalt  }
0x7b: {  	_ =	shalt  }
0x7c: {  	_ =	shalt  }
0x7d: {  	_ =	shalt  }
0x7e: {  	_ =	shalt  }
0x7f: {  	_ =	shalt  }
0x80: {  	_ =	shalt  }
0x81: {  	_ =	shalt  }
0x82: {  	_ =	shalt  }
0x83: {  	_ =	shalt  }
0x84: {  	_ =	shalt  }
0x85: {  	_ =	shalt  }
0x86: {  	_ =	shalt  }
0x87: {  	_ =	shalt  }
.Lfunc_end0:
.L_simem_size_0:
called_computation_lowered:
.L_overlay_start_0:
0x88: {  	s2 =	sld [smem:$0x3FD9]  }
0x89: {  	s3 =	sld [smem:$0x3FFE];
	_ =	sdelay $0x1  }
0x8a: {  	s1 =	srdreg.scid  }
0x8b: {  	s0 =	sand.u32 $0x1, s1  }
0x8c: {  	s16 =	sshll.u32 s0, $0xA;
	s2 =	sadd.s32 s3, s2  }
0x8d: {  	s2 =	sadd.s32 s2, s16  }
0x8e: {  	[smem:$0x3FC2] =	sst s2  }
0x8f: {  	_ = 	snop  }
0x90: {  	(tm) =	ssettm $0x1  }
0x91: {  	s17 =	sld [smem:$0x3FFB];
	_ =	sdelay $0x3  }
0x92: {  	_ =	strace s17  }
0x93: {  	s2 =	sld [smem:$0x3FFC];
	_ =	sdelay $0x3  }
0x94: {  	_ =	strace s2  }
0x95: {  	s2 =	sld [smem:$0x3FFD];
	_ =	sdelay $0x3  }
0x96: {  	_ =	strace s2  }
0x97: {  	_ =	strace $0x8FFFFFFF  }
0x98: {  	s18 =	sld [smem:$0x3FDB];
	_ =	sdelay $0x1  }
0x99: {  	s19 =	simm.s32 $_scs_section_size  }
0x9a: {  	s4 =	simm.s32 $_size__tile_overlayer_lowered;
	s5 =	simm.s32 $_tile_overlayer_lowered  }
0x9b: {  	s22 =	simm.s32 $0x1BFF;
	s21 =	sshll.u32 s5, $0x1;
	s2 =	sadd.s32 s19, s18  }
0x9c: {  	s6 =	simm.s32 $0x0;
	s20 =	sshll.u32 s4, $0x1;
	s4 =	sadd.s32 s21, s2  }
0x9d: {  	[timem:s6], [sflag:s22] =	dma.local [hbm:s4], s20  }
0x9e: {  	_ =	swait.ge [sflag:s22], s20  }
0x9f: {  	s3 =	ssub.s32 $0x0, s20;
	[sflag:s22] =	ssyncset.done $0x0  }
0xa0: {  	[sflag:s22] =	ssyncadd.s32 s3;
	_ =	sdelay $0x1  }
0xa1: {  	s23 =	simm.s32 $0x1B8B  }
0xa2: {  	_ =	swait.ge [sflag:s23], $0x1  }
0xa3: {  	[sflag:s23] =	ssyncset.done $0x0  }
0xa4: {  	s25 =	simm.s32 $0x1B8E;
	s24 =	sld [smem:$0x3FFE];
	[sflag:s23] =	ssyncadd.s32 $0xFFFFFFFF  }
0xa5: {  	s26 =	simm.s32 $execute0_lowered;
	[smem:$0x3FD2] =	sst s25  }
0xa6: {  	s4 =	sshll.u32 s26, $0x1;
	_ =	strace $0x80000046;
	[dreg:$0x1] =	wrdreg $0xFFFFFFFF  }
0xa7: {  	s28 =	simm.s32 $_size_execute0_lowered;
	s2 =	sadd.s32 s2, s4;
	[dreg:$0x0] =	wrdreg $0x0  }
0xa8: {  	s4 =	sshll.u32 s28, $0x1;
	[dreg:$0x2] =	wrdreg s2  }
0xa9: {  	[dreg:$0x3] =	wrdreg s4  }
0xaa: {  	[dreg:$0x4] =	wrdreg $0xC0  }
0xab: {  	_ =	task [dreg:s6], $0x5FFFF  }
0xac: {  	[dreg:$0x1] =	wrdreg $0xFFFFFFFF  }
0xad: {  	[dreg:$0x0] =	wrdreg $0x60  }
0xae: {  	[dreg:$0x2] =	wrdreg s24  }
0xaf: {  	[dreg:$0x3] =	wrdreg $0x68000  }
0xb0: {  	[dreg:$0x4] =	wrdreg $0x9  }
0xb1: {  	_ =	task.clear_ibuf [dreg:s6], $0x5FFFF;
	_ =	strace $0x90000046  }
0xb2: {  	s29 =	simm.s32 $0x9;
	_ =	strace $0x80000048  }
0xb3: {  	_ =	swait.ge [sflag:s29], $0x1  }
0xb4: {  	[sflag:s29] =	ssyncadd.s32 $0xFFFFFFFF  }
0xb5: {  	_ =	strace $0x90000048  }
0xb6: {  	_ =	sfence  }
0xb7: {  	s30 =	sld [smem:$0x0];
	_ =	sdelay $0x2  }
0xb8: {  	s31 =	sshll.u32 s1, $0xD;
	s1 =	sshrl.u32 s1, $0x2  }
0xb9: {  	s3 =	sand.u32 $0x4000, s31;
	s1 =	sadd.s32 s1, s30  }
0xba: {  	s0 =	sor.u32 s3, s0;
	s1 =	sshll.u32 s1, $0x11  }
0xbb: {  	s0 =	sor.u32 s1, s0  }
0xbc: {  	s0 =	sadd.s32 $0x8F2B, s0  }
0xbd: {  	[sflag:s0] =	ssyncadd.remote.s32 $0x1  }
0xbe: {  	_ =	sfence.sel $0xFFFF  }
0xbf: {  	[dreg:$0x0] =	wrdreg $0xFFFFFFFF;
	(pc) =	sbr.abs _section_cstart, $3  }
0xc0: {  	[dreg:$0x1] =	wrdreg $0xFFFFFFFF  }
0xc1: {  	_ =	task.clear_ibuf [dreg:s6], $0x2FFFF;
	_ =	strace $0x9FFFFFFF  }
0xc2: {  	(tm) =	ssettm $0x7FFFFFFF  }
0xc3: {  	_ =	shalt  }
tec
execute0_lowered:
.L_overlay_start_1:
0x0: {  	(tag) =	ssettag $0x1  }
0x1: {  	s0 =	srdreg.scid;
	s4 =	rddreg [dreg:$0x0]  }
0x2: {  	s2 =	rddreg [dreg:$0x1];
	s5 =	sand.u32 $0x1, s0  }
0x3: {  	s0 =	stileid.u32;
	s6 =	smul.u32 $0x5000, s5  }
0x4: {  	s1 =	rddreg [dreg:$0x2];
	s3 =	simm.s32 $0x0;
	s7 =	smul.u32 $0x500, s0  }
0x5: {  	s12 =	simm.s32 $0x2800;
	s13 =	simm.s32 $0x1;
	s8 =	smul.u32 $0x28000, s5  }
0x6: {  	s14 =	simm.s32 $0x80;
	[smem:$0x7FF] =	sst s3;
	s9 =	smul.u32 $0x2800, s0  }
0x7: {  	s29 =	smul.u32 $0x50000, s0;
	s5 =	ssub.s32 $0x2, s5;
	s15 =	sshll.u32 s0, $0x6  }
0x8: {  	_ =	strace $0x80000047;
	s30 =	sshrl.u32 s5, $0x1;
	s15 =	sor.u32 $0x1C01, s15  }
0x9: {  	s6 =	sadd.s32 s7, s6;
	s8 =	sadd.s32 s9, s8;
	s7 =	sshrl.u32 s29, $0x2  }
0xa: {  	s31 =	ssub.s32 s5, s30;
	s6 =	sadd.s32 s6, s4;
	s8 =	sadd.s32 s8, s4  }
0xb: {  	s4 =	sadd.s32 s7, s2;
	s7 =	smax.u32 s31, $0x1;
	s5 =	sadd.s32 $0x7600, s6  }
0xc: {  	s6 =	sadd.s32 $0x11600, s8;
	s8 =	sadd.s32 $0x4000, s4;
	s9 =	sadd.s32 $0x8000, s4  }
0xd: {  	v0 =	vimm.f32 $0.0e+00;
	v1 =	vimm.f32 $1.000000000e+00;
	s10 =	sadd.s32 $0xC000, s4;
	s11 =	sadd.s32 $0x10000, s4;
	s16 =	sshrl.u32 s4, $0x3  }
.LBB2_1:
0xe: {  	s17 =	simm.s32 $0x0;
	s18 =	simm.s32 $0x200  }
.LBB2_2:
0xf: {  	p0 =	sne.s32 s18, $0xFE00;
	[tilespmem:s17+$0x2870] =	vst v0  }
0x10: {  	[tilespmem:s17+$0x2800] =	vst v0  }
0x11: {  	[tilespmem:s17+$0x2810] =	vst v0  }
.Ltmp0:
0x12: {  	[tilespmem:s17+$0x2820] =	vst v0;
	(pc) =	sbr.rel @p0 .LBB2_2-.Ltmp0, $4  }
0x13: {  	[tilespmem:s17+$0x2830] =	vst v0  }
0x14: {  	[tilespmem:s17+$0x2840] =	vst v0  }
0x15: {  	[tilespmem:s17+$0x2850] =	vst v0  }
0x16: {  	[tilespmem:s17+$0x2860] =	vst v0;
	s17 =	sshra.s32 s18, $0x2;
	s18 =	sadd.s32 $0x200, s18  }
0x17: {  	[tilespmem:s17+$0x2870] =	vst v0  }
0x18: {  	[tilespmem:s17+$0x2800] =	vst v0  }
0x19: {  	[tilespmem:s17+$0x2810] =	vst v0  }
0x1a: {  	[tilespmem:s17+$0x2820] =	vst v0  }
0x1b: {  	[tilespmem:s17+$0x2830] =	vst v0  }
0x1c: {  	[tilespmem:s17+$0x2840] =	vst v0  }
0x1d: {  	[tilespmem:s17+$0x2850] =	vst v0  }
0x1e: {  	[tilespmem:s17+$0x2860] =	vst v0  }
0x1f: {  	[spmem:s4] =	stream.linear.scatter [tilespmem:s12], [sflag:$0x1], $0x4000, $0x38;
	[tilespmem:$0x1A800] =	vst v63  }
0x20: {  	_ =	swait.ge [sflag:s13], $0x4000  }
0x21: {  	[sflag:s13] =	ssyncset.done $0x0  }
0x22: {  	[sflag:s13] =	ssyncadd.s32 $0xFFFFC000  }
0x23: {  	[spmem:s8] =	stream.linear.scatter [tilespmem:s12], [sflag:$0x1], $0x4000, $0x38;
	[tilespmem:$0x1A800] =	vst v63  }
0x24: {  	_ =	swait.ge [sflag:s13], $0x4000  }
0x25: {  	[sflag:s13] =	ssyncset.done $0x0  }
0x26: {  	[sflag:s13] =	ssyncadd.s32 $0xFFFFC000  }
0x27: {  	[spmem:s9] =	stream.linear.scatter [tilespmem:s12], [sflag:$0x1], $0x4000, $0x38;
	[tilespmem:$0x1A800] =	vst v63  }
0x28: {  	_ =	swait.ge [sflag:s13], $0x4000  }
0x29: {  	[sflag:s13] =	ssyncset.done $0x0  }
0x2a: {  	[sflag:s13] =	ssyncadd.s32 $0xFFFFC000  }
0x2b: {  	[spmem:s10] =	stream.linear.scatter [tilespmem:s12], [sflag:$0x1], $0x4000, $0x38;
	[tilespmem:$0x1A800] =	vst v63  }
0x2c: {  	_ =	swait.ge [sflag:s13], $0x4000  }
0x2d: {  	[sflag:s13] =	ssyncset.done $0x0  }
0x2e: {  	[sflag:s13] =	ssyncadd.s32 $0xFFFFC000  }
0x2f: {  	[spmem:s11] =	stream.linear.scatter [tilespmem:s12], [sflag:$0x1], $0x4000, $0x38;
	[tilespmem:$0x1A800] =	vst v63  }
0x30: {  	_ =	swait.ge [sflag:s13], $0x4000  }
0x31: {  	[sflag:s13] =	ssyncset.done $0x0  }
0x32: {  	s17 =	simm.s32 $0x0;
	s18 =	simm.s32 $0x200;
	[sflag:s13] =	ssyncadd.s32 $0xFFFFC000  }
.LBB2_4:
0x33: {  	p0 =	sne.s32 s18, $0xFE00;
	[tilespmem:s17+$0x2870] =	vst v1  }
0x34: {  	[tilespmem:s17+$0x2800] =	vst v1  }
0x35: {  	[tilespmem:s17+$0x2810] =	vst v1  }
.Ltmp1:
0x36: {  	[tilespmem:s17+$0x2820] =	vst v1;
	(pc) =	sbr.rel @p0 .LBB2_4-.Ltmp1, $4  }
0x37: {  	[tilespmem:s17+$0x2830] =	vst v1  }
0x38: {  	[tilespmem:s17+$0x2840] =	vst v1  }
0x39: {  	[tilespmem:s17+$0x2850] =	vst v1  }
0x3a: {  	[tilespmem:s17+$0x2860] =	vst v1;
	s17 =	sshra.s32 s18, $0x2;
	s18 =	sadd.s32 $0x200, s18  }
0x3b: {  	[tilespmem:s17+$0x2870] =	vst v1  }
0x3c: {  	[tilespmem:s17+$0x2800] =	vst v1  }
0x3d: {  	[tilespmem:s17+$0x2810] =	vst v1  }
0x3e: {  	[tilespmem:s17+$0x2820] =	vst v1  }
0x3f: {  	[tilespmem:s17+$0x2830] =	vst v1  }
0x40: {  	[tilespmem:s17+$0x2840] =	vst v1  }
0x41: {  	[tilespmem:s17+$0x2850] =	vst v1  }
0x42: {  	[tilespmem:s17+$0x2860] =	vst v1;
	s30 =	simm.s32 $0x0  }
0x43: {  	[tilespmem:s30], [sflag:$0x1] =	stream.linear.gather [hbm4b:s5+s30], $0x2800, $0x38;
	[tilespmem:$0x1A800] =	vst v63  }
0x44: {  	_ =	swait.ge [sflag:s13], $0x2800  }
0x45: {  	[sflag:s13] =	ssyncset.done $0x0  }
0x46: {  	[sflag:s13] =	ssyncadd.s32 $0xFFFFD800  }
0x47: {  	s31 =	simm.s32 $0x0;
	[bflag:$0x0] =	sbarrier.arrive $0xFFFF  }
0x48: {  	[spmem:s2] =	stream.indirect.scatter.add.f32 [tilespmem:s12], [sflag:$0x1], $0x80, s31, s14, $0xb8;
	[tilespmem:$0x1A800] =	vst v63  }
0x49: {  	_ =	swait.ge [sflag:s13], $0x4000  }
0x4a: {  	s17 =	simm.s32 $0x200;
	[sflag:s13] =	ssyncset.done $0x0  }
.LBB2_6:
0x4b: {  	s18 =	sshra.s32 s17, $0x2;
	[sflag:s13] =	ssyncadd.s32 $0xFFFFC000;
	p0 =	sne.s32 s17, $0x9E00  }
0x4c: {  	[spmem:s2] =	stream.indirect.scatter.add.f32 [tilespmem:s12], [sflag:$0x1], $0x80, s18, s14, $0xb8;
	[tilespmem:$0x1A800] =	vst v63  }
.Ltmp2:
0x4d: {  	_ = 	snop;
	(pc) =	sbr.rel @p0 .LBB2_6-.Ltmp2, $4  }
0x4e: {  	_ = 	snop  }
0x4f: {  	s17 =	sadd.s32 $0x200, s17  }
0x50: {  	_ =	swait.ge [sflag:s13], $0x4000  }
0x51: {  	[sflag:s13] =	ssyncset.done $0x0  }
0x52: {  	s3 =	sadd.s32 $0x1, s3  }
0x53: {  	[sflag:s13] =	ssyncadd.s32 $0xFFFFC000;
	p0 =	sne.s32 s3, s7  }
.Ltmp3:
0x54: {  	[bflag:$0x0] =	sbarrier.arrive $0xFFFF;
	(pc) =	sbr.rel @p0 .LBB2_1-.Ltmp3, $4  }
0x55: {  	[hbm:s6], [sflag:s15] =	dma.local [spmem:s16], $0x2800  }
0x56: {  	_ =	swait.ge [sflag:s13], $0x2800  }
0x57: {  	[sflag:s13] =	ssyncset.done $0x0  }
0x58: {  	[sflag:s13] =	ssyncadd.s32 $0xFFFFD800  }
0x59: {  	_ =	sfence.sel $0x180000  }
0x5a: {  	[bflag:$0x0] =	sbarrier.arrive $0xFFFF  }
0x5b: {  	p0 =	sne.s32 s0, $0x0;
	_ =	strace $0x90000047  }
0x5c: {  	s0 =	sadd.s32 @!p0 $0x100000, s1;
	[bflag:$0x2] =	sbarrier.arrive $0xFFFF  }
0x5d: {  	[sflag:s0] =	ssyncadd.tile.s32 @!p0 $0x1;
	_ =	shalt  }
.Lfunc_end2:
_tile_overlayer_lowered:
.L_overlay_start_2:
0x5e: {  	(tag) =	ssettag $0x2  }
0x5f: {  	s0 =	rddreg [dreg:$0x0];
	s2 =	stileid.u32  }
0x60: {  	s1 =	rddreg [dreg:$0x1];
	p0 =	sne.s32 s2, $0x0  }
0x61: {  	s3 =	rddreg [dreg:$0x2];
	[bflag:$0x3] =	sbarrier.arrive $0xFFFF;
	s2 =	simm.s32 @!p0 $0x1C01  }
0x62: {  	[timem:s3], [sflag:s2] =	dma.local @!p0 [hbm:s0], s1  }
0x63: {  	s0 =	simm.s32 @!p0 $0x1  }
0x64: {  	_ =	swait.ge @!p0 [sflag:s0], s1  }
0x65: {  	s1 =	ssub.s32 @!p0 $0x0, s1;
	[sflag:s0] =	ssyncset.done @!p0 $0x0  }
0x66: {  	[sflag:s0] =	ssyncadd.s32 @!p0 s1  }
0x67: {  	[bflag:$0x3] =	sbarrier.arrive $0xFFFF  }
0x68: {  	_ =	shalt  }

</sc_bundles>
